<compile_context>
chip_gen: v7x
topology: tpu7x:2x2x1
jax: 0.10.2.dev20260603
libtpu: 0.0.44.dev20260713+nightly
codegen_flags: <defaults>
</compile_context>

<pallas_src>
import functools

import jax
import jax.numpy as jnp
from jax import lax
from jax.experimental import pallas as pl
from jax.experimental.pallas import tpu as pltpu
from jax.experimental.pallas import tpu_sc as plsc

EMBED = 64
WIDE = 128
SCALE = 8.0
NC = 2
NS = 16
NW = NC * NS
CHUNK = 128
LANES = 16


def _transpose_scale(src_v, dst_v, n_rows, scale, n_cols):
    lane = lax.iota(jnp.int32, LANES)

    @plsc.parallel_loop(0, n_rows, 1, unroll=4)
    def rows(r):
        rcol = jnp.broadcast_to(r, (LANES,)).astype(jnp.int32)
        for d in range(n_cols // LANES):
            vec = src_v[r, pl.ds(d * LANES, LANES)]
            plsc.store_scatter(dst_v, [lane + d * LANES, rcol], vec * scale)


@functools.partial(jax.jit, static_argnames=("seq", "batch"))
def _emb_lookup(tok_t, table_wide, seq, batch):
    mesh = plsc.VectorSubcoreMesh(core_axis_name="c", subcore_axis_name="s")

    @functools.partial(
        pl.kernel,
        mesh=mesh,
        out_type=jax.ShapeDtypeStruct((seq, EMBED, batch), jnp.float32),
        scratch_types=[
            pltpu.VMEM((seq, CHUNK), jnp.int32),
            pltpu.VMEM((2, CHUNK, WIDE), jnp.float32),
            pltpu.VMEM((2, EMBED, CHUNK + 1), jnp.float32),
            pltpu.SemaphoreType.DMA,
            pltpu.SemaphoreType.DMA,
            pltpu.SemaphoreType.DMA,
            pltpu.SemaphoreType.DMA,
        ],
        compiler_params=pltpu.CompilerParams(
            use_tc_tiling_on_sc=False, needs_layout_passes=False
        ),
    )
    def body(tok_hbm, table_hbm, out_hbm, idx_v, wide_v, trans_v, g0, g1, w0, w1):
        gsem = (g0, g1)
        wsem = (w0, w1)
        wid = lax.axis_index("s") * NC + lax.axis_index("c")
        col0 = wid * CHUNK
        pltpu.sync_copy(tok_hbm.at[:, pl.ds(col0, CHUNK)], idx_v)

        pltpu.async_copy(table_hbm.at[idx_v.at[0]], wide_v.at[0], gsem[0])

        @pl.loop(0, seq, step=2)
        def outer(j0):
            for b in range(2):
                j = j0 + b
                other = 1 - b

                @pl.when(j + 1 < seq)
                def _():
                    pltpu.async_copy(
                        table_hbm.at[idx_v.at[j + 1]], wide_v.at[other],
                        gsem[other],
                    )

                pltpu.make_async_copy(
                    table_hbm.at[pl.ds(0, CHUNK)], wide_v.at[b], gsem[b]
                ).wait()

                @pl.when(j >= 2)
                def _():
                    pltpu.make_async_copy(
                        trans_v.at[b, :, pl.ds(0, CHUNK)],
                        out_hbm.at[0, :, pl.ds(0, CHUNK)],
                        wsem[b],
                    ).wait()

                _transpose_scale(
                    wide_v.at[b], trans_v.at[b], CHUNK, SCALE, n_cols=EMBED
                )

                pltpu.async_copy(
                    trans_v.at[b, :, pl.ds(0, CHUNK)],
                    out_hbm.at[j, :, pl.ds(col0, CHUNK)],
                    wsem[b],
                )

        for b in range(2):
            pltpu.make_async_copy(
                trans_v.at[b, :, pl.ds(0, CHUNK)],
                out_hbm.at[0, :, pl.ds(0, CHUNK)],
                wsem[b],
            ).wait()

    return body(tok_t, table_wide)


def kernel(tokens, table):
    b, s = tokens.shape
    tok_t = tokens.T.astype(jnp.int32)
    table_wide = jnp.pad(table, ((0, 0), (0, WIDE - EMBED)))
    out = _emb_lookup(tok_t, table_wide, s, b)
    return out.transpose(2, 0, 1)

# --- scband reference (transcript-rebuilt; emitter-appended) ---
"""Pipeline reference for scband-token-embedding-71339406787023 (READ-ONLY COPY).

The authoritative reference and input builder live on the scoring server;
editing this copy changes nothing except your own understanding.
"""

import jax, jax.numpy as jnp
import numpy as np
import math

VOCAB = 1000000
EMBED = 64
PAD_IDX = 0

def setup_inputs(seed: int = 0) -> dict:
    key = jax.random.key(seed)
    k1, k2 = jax.random.split(key)
    tokens = jax.random.randint(k1, (4096, 200), 0, VOCAB, dtype=jnp.int64 if jax.config.jax_enable_x64 else jnp.int32)
    table = jax.random.normal(k2, (VOCAB, EMBED), dtype=jnp.float32)
    # nn.Embedding padding_idx zeros that row at init
    table = table.at[PAD_IDX].set(0.0)
    return {"tokens": tokens, "table": table}

def reference(tokens, table):
    # embedding lookup (gather) scaled by sqrt(embedding_size)
    emb = jnp.take(table, tokens, axis=0)
    return emb * math.sqrt(EMBED)

if __name__ == "__main__":
    import jax
    _d = setup_inputs()
    print(jax.jit(kernel)(*tuple(_d.values())))

</pallas_src>

<mosaic_0001>
#map = affine_map<(d0, d1) -> (0, 0)>
#map1 = affine_map<(d0, d1) -> (0, 0, 0)>
module attributes {stable_mosaic.version = 14 : i64} {
  func.func @body(%arg0: i32, %arg1: i32, %arg2: memref<200x4096xi32, #tpu.memory_space<hbm>>, %arg3: memref<1000000x128xf32, #tpu.memory_space<hbm>>, %arg4: memref<200x64x4096xf32, #tpu.memory_space<hbm>>, %arg5: memref<200x128xi32, #tpu.memory_space<vmem>>, %arg6: memref<2x128x128xf32, #tpu.memory_space<vmem>>, %arg7: memref<2x64x129xf32, #tpu.memory_space<vmem>>, %arg8: memref<!tpu.dma_semaphore, #tpu.memory_space<semaphore_mem>>, %arg9: memref<!tpu.dma_semaphore, #tpu.memory_space<semaphore_mem>>, %arg10: memref<!tpu.dma_semaphore, #tpu.memory_space<semaphore_mem>>, %arg11: memref<!tpu.dma_semaphore, #tpu.memory_space<semaphore_mem>>) attributes {dimension_semantics = [#tpu.dimension_semantics<core_parallel>, #tpu.dimension_semantics<subcore_parallel>], iteration_bounds = array<i64: 2, 16>, scalar_prefetch = 0 : i64, scratch_operands = 7 : i64, tpu.core_type = #tpu.core_type<sc_vector_subcore>, window_params = [{transform_indices = #map}, {transform_indices = #map}, {transform_indices = #map1}]} {
    %mul3A = arith.constant 2 : i32
    %mul3A_0 = arith.muli %arg1, %mul3A : i32
    %add3A = arith.addi %mul3A_0, %arg0 : i32
    %mul3A_1 = arith.constant 128 : i32
    %mul3A_2 = arith.muli %add3A, %mul3A_1 : i32
    "tpu.region"() ({
      %run_scoped3A = tpu.sem_alloc : memref<!tpu.dma_semaphore, #tpu.memory_space<semaphore_mem>>
      %dma_start3A_53 = arith.constant 0 : i32
      %dma_start3A_54 = tpu.memref_slice %arg2[%dma_start3A_53, %mul3A_2] : memref<200x4096xi32, #tpu.memory_space<hbm>> -> memref<200x128xi32, #tpu.memory_space<hbm>>
      %dma_start3A_55 = arith.constant 0 : i32
      %dma_start3A_56 = tpu.memref_slice %arg2[%dma_start3A_55, %mul3A_2] : memref<200x4096xi32, #tpu.memory_space<hbm>> -> memref<200x128xi32, #tpu.memory_space<hbm>>
      tpu.enqueue_dma source(%dma_start3A_56 : memref<200x128xi32, #tpu.memory_space<hbm>>) target(%arg5 : memref<200x128xi32, #tpu.memory_space<vmem>>) target_semaphore(%run_scoped3A : memref<!tpu.dma_semaphore, #tpu.memory_space<semaphore_mem>>)
      %dma_wait3A_57 = arith.constant 0 : i32
      %dma_wait3A_58 = tpu.memref_slice %arg2[%dma_wait3A_57, %mul3A_2] : memref<200x4096xi32, #tpu.memory_space<hbm>> -> memref<200x128xi32, #tpu.memory_space<hbm>>
      %dma_wait3A_59 = arith.constant 0 : i32
      %dma_wait3A_60 = tpu.memref_slice %arg2[%dma_wait3A_59, %mul3A_2] : memref<200x4096xi32, #tpu.memory_space<hbm>> -> memref<200x128xi32, #tpu.memory_space<hbm>>
      tpu.wait_dma2 semaphore(%run_scoped3A : memref<!tpu.dma_semaphore, #tpu.memory_space<semaphore_mem>>) src(%dma_wait3A_60 : memref<200x128xi32, #tpu.memory_space<hbm>>) dst(%arg5 : memref<200x128xi32, #tpu.memory_space<vmem>>)
      tpu.yield
    }) : () -> ()
    %dma_start3A = arith.constant 0 : i32
    %dma_start3A_3 = arith.constant 0 : i32
    %dma_start3A_4 = arith.constant 0 : i32
    %dma_start3A_5 = arith.constant 0 : i32
    %dma_start3A_6 = tpu.memref_slice %arg6[%dma_start3A_3, %dma_start3A_4, %dma_start3A_5] : memref<2x128x128xf32, #tpu.memory_space<vmem>> -> memref<1x128x128xf32, #tpu.memory_space<vmem>>
    %dma_start3A_7 = tpu.memref_squeeze %dma_start3A_6 : memref<1x128x128xf32, #tpu.memory_space<vmem>> -> memref<128x128xf32, #tpu.memory_space<vmem>>
    %dma_start3A_8 = arith.constant 0 : i32
    %dma_start3A_9 = tpu.memref_slice %arg5[%dma_start3A, %dma_start3A_8] : memref<200x128xi32, #tpu.memory_space<vmem>> -> memref<1x128xi32, #tpu.memory_space<vmem>>
    %dma_start3A_10 = tpu.memref_squeeze %dma_start3A_9 : memref<1x128xi32, #tpu.memory_space<vmem>> -> memref<128xi32, #tpu.memory_space<vmem>>
    %dma_start3A_11 = arith.constant 0 : i32
    %dma_start3A_12 = arith.constant 0 : i32
    %dma_start3A_13 = tpu.memref_slice %arg3[%dma_start3A_11, %dma_start3A_12] : memref<1000000x128xf32, #tpu.memory_space<hbm>> -> memref<1000000x128xf32, #tpu.memory_space<hbm>>
    tpu.enqueue_indirect_dma source(%dma_start3A_13 : memref<1000000x128xf32, #tpu.memory_space<hbm>>) target(%dma_start3A_7 : memref<128x128xf32, #tpu.memory_space<vmem>>) offsets(%dma_start3A_10 : memref<128xi32, #tpu.memory_space<vmem>>) semaphore(%arg8 : memref<!tpu.dma_semaphore, #tpu.memory_space<semaphore_mem>>)
    %scan3A = arith.constant 0 : i32
    %scan3A_14 = arith.constant 100 : i32
    %scan3A_15 = arith.addi %scan3A, %scan3A_14 : i32
    %scan3A_16 = arith.constant 1 : i32
    scf.for %scan3A_53 = %scan3A to %scan3A_15 step %scan3A_16  : i32 {
      %mul3A_54 = arith.constant 2 : i32
      %mul3A_55 = arith.muli %scan3A_53, %mul3A_54 : i32
      %add3A_56 = arith.constant 0 : i32
      %add3A_57 = arith.addi %add3A_56, %mul3A_55 : i32
      %add3A_58 = arith.constant 0 : i32
      %add3A_59 = arith.addi %add3A_57, %add3A_58 : i32
      %add3A_60 = arith.constant 1 : i32
      %add3A_61 = arith.addi %add3A_59, %add3A_60 : i32
      %lt3A = arith.constant 200 : i32
      %lt3A_62 = arith.cmpi slt, %add3A_61, %lt3A : i32
      %convert_element_type3A = arith.extui %lt3A_62 : i1 to i32
      %cond3A = arith.constant 0 : i32
      %cond3A_63 = arith.cmpi ne, %convert_element_type3A, %cond3A : i32
      scf.if %cond3A_63 {
        %add3A_152 = arith.constant 1 : i32
        %add3A_153 = arith.addi %add3A_59, %add3A_152 : i32
        %dma_start3A_154 = arith.constant 1 : i32
        %dma_start3A_155 = arith.constant 0 : i32
        %dma_start3A_156 = arith.constant 0 : i32
        %dma_start3A_157 = tpu.memref_slice %arg6[%dma_start3A_154, %dma_start3A_155, %dma_start3A_156] : memref<2x128x128xf32, #tpu.memory_space<vmem>> -> memref<1x128x128xf32, #tpu.memory_space<vmem>>
        %dma_start3A_158 = tpu.memref_squeeze %dma_start3A_157 : memref<1x128x128xf32, #tpu.memory_space<vmem>> -> memref<128x128xf32, #tpu.memory_space<vmem>>
        %dma_start3A_159 = arith.constant 0 : i32
        %dma_start3A_160 = tpu.memref_slice %arg5[%add3A_153, %dma_start3A_159] : memref<200x128xi32, #tpu.memory_space<vmem>> -> memref<1x128xi32, #tpu.memory_space<vmem>>
        %dma_start3A_161 = tpu.memref_squeeze %dma_start3A_160 : memref<1x128xi32, #tpu.memory_space<vmem>> -> memref<128xi32, #tpu.memory_space<vmem>>
        %dma_start3A_162 = arith.constant 0 : i32
        %dma_start3A_163 = arith.constant 0 : i32
        %dma_start3A_164 = tpu.memref_slice %arg3[%dma_start3A_162, %dma_start3A_163] : memref<1000000x128xf32, #tpu.memory_space<hbm>> -> memref<1000000x128xf32, #tpu.memory_space<hbm>>
        tpu.enqueue_indirect_dma source(%dma_start3A_164 : memref<1000000x128xf32, #tpu.memory_space<hbm>>) target(%dma_start3A_158 : memref<128x128xf32, #tpu.memory_space<vmem>>) offsets(%dma_start3A_161 : memref<128xi32, #tpu.memory_space<vmem>>) semaphore(%arg9 : memref<!tpu.dma_semaphore, #tpu.memory_space<semaphore_mem>>)
      } else {
      }
      %dma_wait3A_64 = arith.constant 0 : i32
      %dma_wait3A_65 = arith.constant 0 : i32
      %dma_wait3A_66 = arith.constant 0 : i32
      %dma_wait3A_67 = tpu.memref_slice %arg6[%dma_wait3A_64, %dma_wait3A_65, %dma_wait3A_66] : memref<2x128x128xf32, #tpu.memory_space<vmem>> -> memref<1x128x128xf32, #tpu.memory_space<vmem>>
      %dma_wait3A_68 = tpu.memref_squeeze %dma_wait3A_67 : memref<1x128x128xf32, #tpu.memory_space<vmem>> -> memref<128x128xf32, #tpu.memory_space<vmem>>
      %dma_wait3A_69 = arith.constant 0 : i32
      %dma_wait3A_70 = arith.constant 0 : i32
      %dma_wait3A_71 = tpu.memref_slice %arg3[%dma_wait3A_69, %dma_wait3A_70] : memref<1000000x128xf32, #tpu.memory_space<hbm>> -> memref<128x128xf32, #tpu.memory_space<hbm>>
      %dma_wait3A_72 = arith.constant 0 : i32
      %dma_wait3A_73 = arith.constant 0 : i32
      %dma_wait3A_74 = tpu.memref_slice %arg6[%dma_wait3A_64, %dma_wait3A_72, %dma_wait3A_73] : memref<2x128x128xf32, #tpu.memory_space<vmem>> -> memref<1x128x128xf32, #tpu.memory_space<vmem>>
      %dma_wait3A_75 = tpu.memref_squeeze %dma_wait3A_74 : memref<1x128x128xf32, #tpu.memory_space<vmem>> -> memref<128x128xf32, #tpu.memory_space<vmem>>
      %dma_wait3A_76 = arith.constant 0 : i32
      %dma_wait3A_77 = arith.constant 0 : i32
      %dma_wait3A_78 = tpu.memref_slice %arg3[%dma_wait3A_76, %dma_wait3A_77] : memref<1000000x128xf32, #tpu.memory_space<hbm>> -> memref<128x128xf32, #tpu.memory_space<hbm>>
      tpu.wait_dma2 semaphore(%arg8 : memref<!tpu.dma_semaphore, #tpu.memory_space<semaphore_mem>>) src(%dma_wait3A_78 : memref<128x128xf32, #tpu.memory_space<hbm>>) dst(%dma_wait3A_75 : memref<128x128xf32, #tpu.memory_space<vmem>>)
      %ge3A = arith.constant 2 : i32
      %ge3A_79 = arith.cmpi sge, %add3A_59, %ge3A : i32
      %convert_element_type3A_80 = arith.extui %ge3A_79 : i1 to i32
      %cond3A_81 = arith.constant 0 : i32
      %cond3A_82 = arith.cmpi ne, %convert_element_type3A_80, %cond3A_81 : i32
      scf.if %cond3A_82 {
        %dma_wait3A_152 = arith.constant 0 : i32
        %dma_wait3A_153 = arith.constant 0 : i32
        %dma_wait3A_154 = arith.constant 0 : i32
        %dma_wait3A_155 = arith.constant 0 : i32
        %dma_wait3A_156 = tpu.memref_slice %arg7[%dma_wait3A_152, %dma_wait3A_154, %dma_wait3A_155] : memref<2x64x129xf32, #tpu.memory_space<vmem>> -> memref<1x64x128xf32, #tpu.memory_space<vmem>>
        %dma_wait3A_157 = tpu.memref_squeeze %dma_wait3A_156 : memref<1x64x128xf32, #tpu.memory_space<vmem>> -> memref<64x128xf32, #tpu.memory_space<vmem>>
        %dma_wait3A_158 = arith.constant 0 : i32
        %dma_wait3A_159 = arith.constant 0 : i32
        %dma_wait3A_160 = tpu.memref_slice %arg4[%dma_wait3A_153, %dma_wait3A_158, %dma_wait3A_159] : memref<200x64x4096xf32, #tpu.memory_space<hbm>> -> memref<1x64x128xf32, #tpu.memory_space<hbm>>
        %dma_wait3A_161 = tpu.memref_squeeze %dma_wait3A_160 : memref<1x64x128xf32, #tpu.memory_space<hbm>> -> memref<64x128xf32, #tpu.memory_space<hbm>>
        %dma_wait3A_162 = arith.constant 0 : i32
        %dma_wait3A_163 = arith.constant 0 : i32
        %dma_wait3A_164 = tpu.memref_slice %arg4[%dma_wait3A_153, %dma_wait3A_162, %dma_wait3A_163] : memref<200x64x4096xf32, #tpu.memory_space<hbm>> -> memref<1x64x128xf32, #tpu.memory_space<hbm>>
        %dma_wait3A_165 = tpu.memref_squeeze %dma_wait3A_164 : memref<1x64x128xf32, #tpu.memory_space<hbm>> -> memref<64x128xf32, #tpu.memory_space<hbm>>
        %dma_wait3A_166 = arith.constant 0 : i32
        %dma_wait3A_167 = arith.constant 0 : i32
        %dma_wait3A_168 = tpu.memref_slice %arg7[%dma_wait3A_152, %dma_wait3A_166, %dma_wait3A_167] : memref<2x64x129xf32, #tpu.memory_space<vmem>> -> memref<1x64x128xf32, #tpu.memory_space<vmem>>
        %dma_wait3A_169 = tpu.memref_squeeze %dma_wait3A_168 : memref<1x64x128xf32, #tpu.memory_space<vmem>> -> memref<64x128xf32, #tpu.memory_space<vmem>>
        tpu.wait_dma2 semaphore(%arg10 : memref<!tpu.dma_semaphore, #tpu.memory_space<semaphore_mem>>) src(%dma_wait3A_169 : memref<64x128xf32, #tpu.memory_space<vmem>>) dst(%dma_wait3A_165 : memref<64x128xf32, #tpu.memory_space<hbm>>)
      } else {
      }
      %iota3A = tpu.iota {dimensions = array<i32: 0>} : vector<16xi32>
      %parallel_loop3A = arith.constant 0 : i32
      %parallel_loop3A_83 = arith.constant 128 : i32
      %parallel_loop3A_84 = arith.constant 1 : i32
      %parallel_loop3A_85 = arith.constant 0 : i32
      %parallel_loop3A_86 = arith.constant 0 : i32
      scf.for %parallel_loop3A_152 = %parallel_loop3A to %parallel_loop3A_83 step %parallel_loop3A_84  : i32 {
        %parallel_loop3A_153 = vector.broadcast %parallel_loop3A_152 : i32 to vector<16xi32>
        %parallel_loop3A_154 = arith.constant 0 : i32
        %parallel_loop3A_155 = arith.constant 0 : i32
        %parallel_loop3A_156 = tpu.memref_slice %arg6[%parallel_loop3A_85, %parallel_loop3A_154, %parallel_loop3A_155] : memref<2x128x128xf32, #tpu.memory_space<vmem>> -> memref<1x128x128xf32, #tpu.memory_space<vmem>>
        %parallel_loop3A_157 = tpu.memref_squeeze %parallel_loop3A_156 : memref<1x128x128xf32, #tpu.memory_space<vmem>> -> memref<128x128xf32, #tpu.memory_space<vmem>>
        %parallel_loop3A_158 = arith.index_cast %parallel_loop3A_152 : i32 to index
        %parallel_loop3A_159 = arith.constant 0 : index
        %parallel_loop3A_160 = tpu.vector_load %parallel_loop3A_157[%parallel_loop3A_158, %parallel_loop3A_159] {strides = array<i32>} : memref<128x128xf32, #tpu.memory_space<vmem>>, vector<16xf32>,
        %parallel_loop3A_161 = arith.constant 0 : i32
        %parallel_loop3A_162 = vector.broadcast %parallel_loop3A_161 : i32 to vector<16xi32>
        %parallel_loop3A_163 = arith.addi %iota3A, %parallel_loop3A_162 : vector<16xi32>
        %parallel_loop3A_164 = arith.constant 8.000000e+00 : f32
        %parallel_loop3A_165 = vector.broadcast %parallel_loop3A_164 : f32 to vector<16xf32>
        %parallel_loop3A_166 = arith.mulf %parallel_loop3A_160, %parallel_loop3A_165 : vector<16xf32>
        %parallel_loop3A_167 = arith.constant 0 : i32
        %parallel_loop3A_168 = arith.constant 0 : i32
        %parallel_loop3A_169 = tpu.memref_slice %arg7[%parallel_loop3A_86, %parallel_loop3A_167, %parallel_loop3A_168] : memref<2x64x129xf32, #tpu.memory_space<vmem>> -> memref<1x64x129xf32, #tpu.memory_space<vmem>>
        %parallel_loop3A_170 = tpu.memref_squeeze %parallel_loop3A_169 : memref<1x64x129xf32, #tpu.memory_space<vmem>> -> memref<64x129xf32, #tpu.memory_space<vmem>>
        tpu.vector_store_idx %parallel_loop3A_170[%parallel_loop3A_163, %parallel_loop3A_153], %parallel_loop3A_166 : memref<64x129xf32, #tpu.memory_space<vmem>>[vector<16xi32>, vector<16xi32>], vector<16xf32>,
        %parallel_loop3A_171 = arith.constant 0 : i32
        %parallel_loop3A_172 = arith.constant 0 : i32
        %parallel_loop3A_173 = tpu.memref_slice %arg6[%parallel_loop3A_85, %parallel_loop3A_171, %parallel_loop3A_172] : memref<2x128x128xf32, #tpu.memory_space<vmem>> -> memref<1x128x128xf32, #tpu.memory_space<vmem>>
        %parallel_loop3A_174 = tpu.memref_squeeze %parallel_loop3A_173 : memref<1x128x128xf32, #tpu.memory_space<vmem>> -> memref<128x128xf32, #tpu.memory_space<vmem>>
        %parallel_loop3A_175 = arith.index_cast %parallel_loop3A_152 : i32 to index
        %parallel_loop3A_176 = arith.constant 16 : index
        %parallel_loop3A_177 = tpu.vector_load %parallel_loop3A_174[%parallel_loop3A_175, %parallel_loop3A_176] {strides = array<i32>} : memref<128x128xf32, #tpu.memory_space<vmem>>, vector<16xf32>,
        %parallel_loop3A_178 = arith.constant 16 : i32
        %parallel_loop3A_179 = vector.broadcast %parallel_loop3A_178 : i32 to vector<16xi32>
        %parallel_loop3A_180 = arith.addi %iota3A, %parallel_loop3A_179 : vector<16xi32>
        %parallel_loop3A_181 = arith.constant 8.000000e+00 : f32
        %parallel_loop3A_182 = vector.broadcast %parallel_loop3A_181 : f32 to vector<16xf32>
        %parallel_loop3A_183 = arith.mulf %parallel_loop3A_177, %parallel_loop3A_182 : vector<16xf32>
        %parallel_loop3A_184 = arith.constant 0 : i32
        %parallel_loop3A_185 = arith.constant 0 : i32
        %parallel_loop3A_186 = tpu.memref_slice %arg7[%parallel_loop3A_86, %parallel_loop3A_184, %parallel_loop3A_185] : memref<2x64x129xf32, #tpu.memory_space<vmem>> -> memref<1x64x129xf32, #tpu.memory_space<vmem>>
        %parallel_loop3A_187 = tpu.memref_squeeze %parallel_loop3A_186 : memref<1x64x129xf32, #tpu.memory_space<vmem>> -> memref<64x129xf32, #tpu.memory_space<vmem>>
        tpu.vector_store_idx %parallel_loop3A_187[%parallel_loop3A_180, %parallel_loop3A_153], %parallel_loop3A_183 : memref<64x129xf32, #tpu.memory_space<vmem>>[vector<16xi32>, vector<16xi32>], vector<16xf32>,
        %parallel_loop3A_188 = arith.constant 0 : i32
        %parallel_loop3A_189 = arith.constant 0 : i32
        %parallel_loop3A_190 = tpu.memref_slice %arg6[%parallel_loop3A_85, %parallel_loop3A_188, %parallel_loop3A_189] : memref<2x128x128xf32, #tpu.memory_space<vmem>> -> memref<1x128x128xf32, #tpu.memory_space<vmem>>
        %parallel_loop3A_191 = tpu.memref_squeeze %parallel_loop3A_190 : memref<1x128x128xf32, #tpu.memory_space<vmem>> -> memref<128x128xf32, #tpu.memory_space<vmem>>
        %parallel_loop3A_192 = arith.index_cast %parallel_loop3A_152 : i32 to index
        %parallel_loop3A_193 = arith.constant 32 : index
        %parallel_loop3A_194 = tpu.vector_load %parallel_loop3A_191[%parallel_loop3A_192, %parallel_loop3A_193] {strides = array<i32>} : memref<128x128xf32, #tpu.memory_space<vmem>>, vector<16xf32>,
        %parallel_loop3A_195 = arith.constant 32 : i32
        %parallel_loop3A_196 = vector.broadcast %parallel_loop3A_195 : i32 to vector<16xi32>
        %parallel_loop3A_197 = arith.addi %iota3A, %parallel_loop3A_196 : vector<16xi32>
        %parallel_loop3A_198 = arith.constant 8.000000e+00 : f32
        %parallel_loop3A_199 = vector.broadcast %parallel_loop3A_198 : f32 to vector<16xf32>
        %parallel_loop3A_200 = arith.mulf %parallel_loop3A_194, %parallel_loop3A_199 : vector<16xf32>
        %parallel_loop3A_201 = arith.constant 0 : i32
        %parallel_loop3A_202 = arith.constant 0 : i32
        %parallel_loop3A_203 = tpu.memref_slice %arg7[%parallel_loop3A_86, %parallel_loop3A_201, %parallel_loop3A_202] : memref<2x64x129xf32, #tpu.memory_space<vmem>> -> memref<1x64x129xf32, #tpu.memory_space<vmem>>
        %parallel_loop3A_204 = tpu.memref_squeeze %parallel_loop3A_203 : memref<1x64x129xf32, #tpu.memory_space<vmem>> -> memref<64x129xf32, #tpu.memory_space<vmem>>
        tpu.vector_store_idx %parallel_loop3A_204[%parallel_loop3A_197, %parallel_loop3A_153], %parallel_loop3A_200 : memref<64x129xf32, #tpu.memory_space<vmem>>[vector<16xi32>, vector<16xi32>], vector<16xf32>,
        %parallel_loop3A_205 = arith.constant 0 : i32
        %parallel_loop3A_206 = arith.constant 0 : i32
        %parallel_loop3A_207 = tpu.memref_slice %arg6[%parallel_loop3A_85, %parallel_loop3A_205, %parallel_loop3A_206] : memref<2x128x128xf32, #tpu.memory_space<vmem>> -> memref<1x128x128xf32, #tpu.memory_space<vmem>>
        %parallel_loop3A_208 = tpu.memref_squeeze %parallel_loop3A_207 : memref<1x128x128xf32, #tpu.memory_space<vmem>> -> memref<128x128xf32, #tpu.memory_space<vmem>>
        %parallel_loop3A_209 = arith.index_cast %parallel_loop3A_152 : i32 to index
        %parallel_loop3A_210 = arith.constant 48 : index
        %parallel_loop3A_211 = tpu.vector_load %parallel_loop3A_208[%parallel_loop3A_209, %parallel_loop3A_210] {strides = array<i32>} : memref<128x128xf32, #tpu.memory_space<vmem>>, vector<16xf32>,
        %parallel_loop3A_212 = arith.constant 48 : i32
        %parallel_loop3A_213 = vector.broadcast %parallel_loop3A_212 : i32 to vector<16xi32>
        %parallel_loop3A_214 = arith.addi %iota3A, %parallel_loop3A_213 : vector<16xi32>
        %parallel_loop3A_215 = arith.constant 8.000000e+00 : f32
        %parallel_loop3A_216 = vector.broadcast %parallel_loop3A_215 : f32 to vector<16xf32>
        %parallel_loop3A_217 = arith.mulf %parallel_loop3A_211, %parallel_loop3A_216 : vector<16xf32>
        %parallel_loop3A_218 = arith.constant 0 : i32
        %parallel_loop3A_219 = arith.constant 0 : i32
        %parallel_loop3A_220 = tpu.memref_slice %arg7[%parallel_loop3A_86, %parallel_loop3A_218, %parallel_loop3A_219] : memref<2x64x129xf32, #tpu.memory_space<vmem>> -> memref<1x64x129xf32, #tpu.memory_space<vmem>>
        %parallel_loop3A_221 = tpu.memref_squeeze %parallel_loop3A_220 : memref<1x64x129xf32, #tpu.memory_space<vmem>> -> memref<64x129xf32, #tpu.memory_space<vmem>>
        tpu.vector_store_idx %parallel_loop3A_221[%parallel_loop3A_214, %parallel_loop3A_153], %parallel_loop3A_217 : memref<64x129xf32, #tpu.memory_space<vmem>>[vector<16xi32>, vector<16xi32>], vector<16xf32>,
      } {sc.loop_unroll_factor = 4 : i64, sc.parallel_access}
      %dma_start3A_87 = arith.constant 0 : i32
      %dma_start3A_88 = arith.constant 0 : i32
      %dma_start3A_89 = arith.constant 0 : i32
      %dma_start3A_90 = tpu.memref_slice %arg7[%dma_start3A_87, %dma_start3A_88, %dma_start3A_89] : memref<2x64x129xf32, #tpu.memory_space<vmem>> -> memref<1x64x128xf32, #tpu.memory_space<vmem>>
      %dma_start3A_91 = tpu.memref_squeeze %dma_start3A_90 : memref<1x64x128xf32, #tpu.memory_space<vmem>> -> memref<64x128xf32, #tpu.memory_space<vmem>>
      %dma_start3A_92 = arith.constant 0 : i32
      %dma_start3A_93 = tpu.memref_slice %arg4[%add3A_59, %dma_start3A_92, %mul3A_2] : memref<200x64x4096xf32, #tpu.memory_space<hbm>> -> memref<1x64x128xf32, #tpu.memory_space<hbm>>
      %dma_start3A_94 = tpu.memref_squeeze %dma_start3A_93 : memref<1x64x128xf32, #tpu.memory_space<hbm>> -> memref<64x128xf32, #tpu.memory_space<hbm>>
      %dma_start3A_95 = arith.constant 0 : i32
      %dma_start3A_96 = tpu.memref_slice %arg4[%add3A_59, %dma_start3A_95, %mul3A_2] : memref<200x64x4096xf32, #tpu.memory_space<hbm>> -> memref<1x64x128xf32, #tpu.memory_space<hbm>>
      %dma_start3A_97 = tpu.memref_squeeze %dma_start3A_96 : memref<1x64x128xf32, #tpu.memory_space<hbm>> -> memref<64x128xf32, #tpu.memory_space<hbm>>
      %dma_start3A_98 = arith.constant 0 : i32
      %dma_start3A_99 = arith.constant 0 : i32
      %dma_start3A_100 = tpu.memref_slice %arg7[%dma_start3A_87, %dma_start3A_98, %dma_start3A_99] : memref<2x64x129xf32, #tpu.memory_space<vmem>> -> memref<1x64x128xf32, #tpu.memory_space<vmem>>
      %dma_start3A_101 = tpu.memref_squeeze %dma_start3A_100 : memref<1x64x128xf32, #tpu.memory_space<vmem>> -> memref<64x128xf32, #tpu.memory_space<vmem>>
      tpu.enqueue_dma source(%dma_start3A_101 : memref<64x128xf32, #tpu.memory_space<vmem>>) target(%dma_start3A_97 : memref<64x128xf32, #tpu.memory_space<hbm>>) target_semaphore(%arg10 : memref<!tpu.dma_semaphore, #tpu.memory_space<semaphore_mem>>)
      %add3A_102 = arith.constant 1 : i32
      %add3A_103 = arith.addi %add3A_57, %add3A_102 : i32
      %add3A_104 = arith.constant 1 : i32
      %add3A_105 = arith.addi %add3A_103, %add3A_104 : i32
      %lt3A_106 = arith.constant 200 : i32
      %lt3A_107 = arith.cmpi slt, %add3A_105, %lt3A_106 : i32
      %convert_element_type3A_108 = arith.extui %lt3A_107 : i1 to i32
      %cond3A_109 = arith.constant 0 : i32
      %cond3A_110 = arith.cmpi ne, %convert_element_type3A_108, %cond3A_109 : i32
      scf.if %cond3A_110 {
        %add3A_152 = arith.constant 1 : i32
        %add3A_153 = arith.addi %add3A_103, %add3A_152 : i32
        %dma_start3A_154 = arith.constant 0 : i32
        %dma_start3A_155 = arith.constant 0 : i32
        %dma_start3A_156 = arith.constant 0 : i32
        %dma_start3A_157 = tpu.memref_slice %arg6[%dma_start3A_154, %dma_start3A_155, %dma_start3A_156] : memref<2x128x128xf32, #tpu.memory_space<vmem>> -> memref<1x128x128xf32, #tpu.memory_space<vmem>>
        %dma_start3A_158 = tpu.memref_squeeze %dma_start3A_157 : memref<1x128x128xf32, #tpu.memory_space<vmem>> -> memref<128x128xf32, #tpu.memory_space<vmem>>
        %dma_start3A_159 = arith.constant 0 : i32
        %dma_start3A_160 = tpu.memref_slice %arg5[%add3A_153, %dma_start3A_159] : memref<200x128xi32, #tpu.memory_space<vmem>> -> memref<1x128xi32, #tpu.memory_space<vmem>>
        %dma_start3A_161 = tpu.memref_squeeze %dma_start3A_160 : memref<1x128xi32, #tpu.memory_space<vmem>> -> memref<128xi32, #tpu.memory_space<vmem>>
        %dma_start3A_162 = arith.constant 0 : i32
        %dma_start3A_163 = arith.constant 0 : i32
        %dma_start3A_164 = tpu.memref_slice %arg3[%dma_start3A_162, %dma_start3A_163] : memref<1000000x128xf32, #tpu.memory_space<hbm>> -> memref<1000000x128xf32, #tpu.memory_space<hbm>>
        tpu.enqueue_indirect_dma source(%dma_start3A_164 : memref<1000000x128xf32, #tpu.memory_space<hbm>>) target(%dma_start3A_158 : memref<128x128xf32, #tpu.memory_space<vmem>>) offsets(%dma_start3A_161 : memref<128xi32, #tpu.memory_space<vmem>>) semaphore(%arg8 : memref<!tpu.dma_semaphore, #tpu.memory_space<semaphore_mem>>)
      } else {
      }
      %dma_wait3A_111 = arith.constant 1 : i32
      %dma_wait3A_112 = arith.constant 0 : i32
      %dma_wait3A_113 = arith.constant 0 : i32
      %dma_wait3A_114 = tpu.memref_slice %arg6[%dma_wait3A_111, %dma_wait3A_112, %dma_wait3A_113] : memref<2x128x128xf32, #tpu.memory_space<vmem>> -> memref<1x128x128xf32, #tpu.memory_space<vmem>>
      %dma_wait3A_115 = tpu.memref_squeeze %dma_wait3A_114 : memref<1x128x128xf32, #tpu.memory_space<vmem>> -> memref<128x128xf32, #tpu.memory_space<vmem>>
      %dma_wait3A_116 = arith.constant 0 : i32
      %dma_wait3A_117 = arith.constant 0 : i32
      %dma_wait3A_118 = tpu.memref_slice %arg3[%dma_wait3A_116, %dma_wait3A_117] : memref<1000000x128xf32, #tpu.memory_space<hbm>> -> memref<128x128xf32, #tpu.memory_space<hbm>>
      %dma_wait3A_119 = arith.constant 0 : i32
      %dma_wait3A_120 = arith.constant 0 : i32
      %dma_wait3A_121 = tpu.memref_slice %arg6[%dma_wait3A_111, %dma_wait3A_119, %dma_wait3A_120] : memref<2x128x128xf32, #tpu.memory_space<vmem>> -> memref<1x128x128xf32, #tpu.memory_space<vmem>>
      %dma_wait3A_122 = tpu.memref_squeeze %dma_wait3A_121 : memref<1x128x128xf32, #tpu.memory_space<vmem>> -> memref<128x128xf32, #tpu.memory_space<vmem>>
      %dma_wait3A_123 = arith.constant 0 : i32
      %dma_wait3A_124 = arith.constant 0 : i32
      %dma_wait3A_125 = tpu.memref_slice %arg3[%dma_wait3A_123, %dma_wait3A_124] : memref<1000000x128xf32, #tpu.memory_space<hbm>> -> memref<128x128xf32, #tpu.memory_space<hbm>>
      tpu.wait_dma2 semaphore(%arg9 : memref<!tpu.dma_semaphore, #tpu.memory_space<semaphore_mem>>) src(%dma_wait3A_125 : memref<128x128xf32, #tpu.memory_space<hbm>>) dst(%dma_wait3A_122 : memref<128x128xf32, #tpu.memory_space<vmem>>)
      %ge3A_126 = arith.constant 2 : i32
      %ge3A_127 = arith.cmpi sge, %add3A_103, %ge3A_126 : i32
      %convert_element_type3A_128 = arith.extui %ge3A_127 : i1 to i32
      %cond3A_129 = arith.constant 0 : i32
      %cond3A_130 = arith.cmpi ne, %convert_element_type3A_128, %cond3A_129 : i32
      scf.if %cond3A_130 {
        %dma_wait3A_152 = arith.constant 1 : i32
        %dma_wait3A_153 = arith.constant 0 : i32
        %dma_wait3A_154 = arith.constant 0 : i32
        %dma_wait3A_155 = arith.constant 0 : i32
        %dma_wait3A_156 = tpu.memref_slice %arg7[%dma_wait3A_152, %dma_wait3A_154, %dma_wait3A_155] : memref<2x64x129xf32, #tpu.memory_space<vmem>> -> memref<1x64x128xf32, #tpu.memory_space<vmem>>
        %dma_wait3A_157 = tpu.memref_squeeze %dma_wait3A_156 : memref<1x64x128xf32, #tpu.memory_space<vmem>> -> memref<64x128xf32, #tpu.memory_space<vmem>>
        %dma_wait3A_158 = arith.constant 0 : i32
        %dma_wait3A_159 = arith.constant 0 : i32
        %dma_wait3A_160 = tpu.memref_slice %arg4[%dma_wait3A_153, %dma_wait3A_158, %dma_wait3A_159] : memref<200x64x4096xf32, #tpu.memory_space<hbm>> -> memref<1x64x128xf32, #tpu.memory_space<hbm>>
        %dma_wait3A_161 = tpu.memref_squeeze %dma_wait3A_160 : memref<1x64x128xf32, #tpu.memory_space<hbm>> -> memref<64x128xf32, #tpu.memory_space<hbm>>
        %dma_wait3A_162 = arith.constant 0 : i32
        %dma_wait3A_163 = arith.constant 0 : i32
        %dma_wait3A_164 = tpu.memref_slice %arg4[%dma_wait3A_153, %dma_wait3A_162, %dma_wait3A_163] : memref<200x64x4096xf32, #tpu.memory_space<hbm>> -> memref<1x64x128xf32, #tpu.memory_space<hbm>>
        %dma_wait3A_165 = tpu.memref_squeeze %dma_wait3A_164 : memref<1x64x128xf32, #tpu.memory_space<hbm>> -> memref<64x128xf32, #tpu.memory_space<hbm>>
        %dma_wait3A_166 = arith.constant 0 : i32
        %dma_wait3A_167 = arith.constant 0 : i32
        %dma_wait3A_168 = tpu.memref_slice %arg7[%dma_wait3A_152, %dma_wait3A_166, %dma_wait3A_167] : memref<2x64x129xf32, #tpu.memory_space<vmem>> -> memref<1x64x128xf32, #tpu.memory_space<vmem>>
        %dma_wait3A_169 = tpu.memref_squeeze %dma_wait3A_168 : memref<1x64x128xf32, #tpu.memory_space<vmem>> -> memref<64x128xf32, #tpu.memory_space<vmem>>
        tpu.wait_dma2 semaphore(%arg11 : memref<!tpu.dma_semaphore, #tpu.memory_space<semaphore_mem>>) src(%dma_wait3A_169 : memref<64x128xf32, #tpu.memory_space<vmem>>) dst(%dma_wait3A_165 : memref<64x128xf32, #tpu.memory_space<hbm>>)
      } else {
      }
      %iota3A_131 = tpu.iota {dimensions = array<i32: 0>} : vector<16xi32>
      %parallel_loop3A_132 = arith.constant 0 : i32
      %parallel_loop3A_133 = arith.constant 128 : i32
      %parallel_loop3A_134 = arith.constant 1 : i32
      %parallel_loop3A_135 = arith.constant 1 : i32
      %parallel_loop3A_136 = arith.constant 1 : i32
      scf.for %parallel_loop3A_152 = %parallel_loop3A_132 to %parallel_loop3A_133 step %parallel_loop3A_134  : i32 {
        %parallel_loop3A_153 = vector.broadcast %parallel_loop3A_152 : i32 to vector<16xi32>
        %parallel_loop3A_154 = arith.constant 0 : i32
        %parallel_loop3A_155 = arith.constant 0 : i32
        %parallel_loop3A_156 = tpu.memref_slice %arg6[%parallel_loop3A_135, %parallel_loop3A_154, %parallel_loop3A_155] : memref<2x128x128xf32, #tpu.memory_space<vmem>> -> memref<1x128x128xf32, #tpu.memory_space<vmem>>
        %parallel_loop3A_157 = tpu.memref_squeeze %parallel_loop3A_156 : memref<1x128x128xf32, #tpu.memory_space<vmem>> -> memref<128x128xf32, #tpu.memory_space<vmem>>
        %parallel_loop3A_158 = arith.index_cast %parallel_loop3A_152 : i32 to index
        %parallel_loop3A_159 = arith.constant 0 : index
        %parallel_loop3A_160 = tpu.vector_load %parallel_loop3A_157[%parallel_loop3A_158, %parallel_loop3A_159] {strides = array<i32>} : memref<128x128xf32, #tpu.memory_space<vmem>>, vector<16xf32>,
        %parallel_loop3A_161 = arith.constant 0 : i32
        %parallel_loop3A_162 = vector.broadcast %parallel_loop3A_161 : i32 to vector<16xi32>
        %parallel_loop3A_163 = arith.addi %iota3A_131, %parallel_loop3A_162 : vector<16xi32>
        %parallel_loop3A_164 = arith.constant 8.000000e+00 : f32
        %parallel_loop3A_165 = vector.broadcast %parallel_loop3A_164 : f32 to vector<16xf32>
        %parallel_loop3A_166 = arith.mulf %parallel_loop3A_160, %parallel_loop3A_165 : vector<16xf32>
        %parallel_loop3A_167 = arith.constant 0 : i32
        %parallel_loop3A_168 = arith.constant 0 : i32
        %parallel_loop3A_169 = tpu.memref_slice %arg7[%parallel_loop3A_136, %parallel_loop3A_167, %parallel_loop3A_168] : memref<2x64x129xf32, #tpu.memory_space<vmem>> -> memref<1x64x129xf32, #tpu.memory_space<vmem>>
        %parallel_loop3A_170 = tpu.memref_squeeze %parallel_loop3A_169 : memref<1x64x129xf32, #tpu.memory_space<vmem>> -> memref<64x129xf32, #tpu.memory_space<vmem>>
        tpu.vector_store_idx %parallel_loop3A_170[%parallel_loop3A_163, %parallel_loop3A_153], %parallel_loop3A_166 : memref<64x129xf32, #tpu.memory_space<vmem>>[vector<16xi32>, vector<16xi32>], vector<16xf32>,
        %parallel_loop3A_171 = arith.constant 0 : i32
        %parallel_loop3A_172 = arith.constant 0 : i32
        %parallel_loop3A_173 = tpu.memref_slice %arg6[%parallel_loop3A_135, %parallel_loop3A_171, %parallel_loop3A_172] : memref<2x128x128xf32, #tpu.memory_space<vmem>> -> memref<1x128x128xf32, #tpu.memory_space<vmem>>
        %parallel_loop3A_174 = tpu.memref_squeeze %parallel_loop3A_173 : memref<1x128x128xf32, #tpu.memory_space<vmem>> -> memref<128x128xf32, #tpu.memory_space<vmem>>
        %parallel_loop3A_175 = arith.index_cast %parallel_loop3A_152 : i32 to index
        %parallel_loop3A_176 = arith.constant 16 : index
        %parallel_loop3A_177 = tpu.vector_load %parallel_loop3A_174[%parallel_loop3A_175, %parallel_loop3A_176] {strides = array<i32>} : memref<128x128xf32, #tpu.memory_space<vmem>>, vector<16xf32>,
        %parallel_loop3A_178 = arith.constant 16 : i32
        %parallel_loop3A_179 = vector.broadcast %parallel_loop3A_178 : i32 to vector<16xi32>
        %parallel_loop3A_180 = arith.addi %iota3A_131, %parallel_loop3A_179 : vector<16xi32>
        %parallel_loop3A_181 = arith.constant 8.000000e+00 : f32
        %parallel_loop3A_182 = vector.broadcast %parallel_loop3A_181 : f32 to vector<16xf32>
        %parallel_loop3A_183 = arith.mulf %parallel_loop3A_177, %parallel_loop3A_182 : vector<16xf32>
        %parallel_loop3A_184 = arith.constant 0 : i32
        %parallel_loop3A_185 = arith.constant 0 : i32
        %parallel_loop3A_186 = tpu.memref_slice %arg7[%parallel_loop3A_136, %parallel_loop3A_184, %parallel_loop3A_185] : memref<2x64x129xf32, #tpu.memory_space<vmem>> -> memref<1x64x129xf32, #tpu.memory_space<vmem>>
        %parallel_loop3A_187 = tpu.memref_squeeze %parallel_loop3A_186 : memref<1x64x129xf32, #tpu.memory_space<vmem>> -> memref<64x129xf32, #tpu.memory_space<vmem>>
        tpu.vector_store_idx %parallel_loop3A_187[%parallel_loop3A_180, %parallel_loop3A_153], %parallel_loop3A_183 : memref<64x129xf32, #tpu.memory_space<vmem>>[vector<16xi32>, vector<16xi32>], vector<16xf32>,
        %parallel_loop3A_188 = arith.constant 0 : i32
        %parallel_loop3A_189 = arith.constant 0 : i32
        %parallel_loop3A_190 = tpu.memref_slice %arg6[%parallel_loop3A_135, %parallel_loop3A_188, %parallel_loop3A_189] : memref<2x128x128xf32, #tpu.memory_space<vmem>> -> memref<1x128x128xf32, #tpu.memory_space<vmem>>
        %parallel_loop3A_191 = tpu.memref_squeeze %parallel_loop3A_190 : memref<1x128x128xf32, #tpu.memory_space<vmem>> -> memref<128x128xf32, #tpu.memory_space<vmem>>
        %parallel_loop3A_192 = arith.index_cast %parallel_loop3A_152 : i32 to index
        %parallel_loop3A_193 = arith.constant 32 : index
        %parallel_loop3A_194 = tpu.vector_load %parallel_loop3A_191[%parallel_loop3A_192, %parallel_loop3A_193] {strides = array<i32>} : memref<128x128xf32, #tpu.memory_space<vmem>>, vector<16xf32>,
        %parallel_loop3A_195 = arith.constant 32 : i32
        %parallel_loop3A_196 = vector.broadcast %parallel_loop3A_195 : i32 to vector<16xi32>
        %parallel_loop3A_197 = arith.addi %iota3A_131, %parallel_loop3A_196 : vector<16xi32>
        %parallel_loop3A_198 = arith.constant 8.000000e+00 : f32
        %parallel_loop3A_199 = vector.broadcast %parallel_loop3A_198 : f32 to vector<16xf32>
        %parallel_loop3A_200 = arith.mulf %parallel_loop3A_194, %parallel_loop3A_199 : vector<16xf32>
        %parallel_loop3A_201 = arith.constant 0 : i32
        %parallel_loop3A_202 = arith.constant 0 : i32
        %parallel_loop3A_203 = tpu.memref_slice %arg7[%parallel_loop3A_136, %parallel_loop3A_201, %parallel_loop3A_202] : memref<2x64x129xf32, #tpu.memory_space<vmem>> -> memref<1x64x129xf32, #tpu.memory_space<vmem>>
        %parallel_loop3A_204 = tpu.memref_squeeze %parallel_loop3A_203 : memref<1x64x129xf32, #tpu.memory_space<vmem>> -> memref<64x129xf32, #tpu.memory_space<vmem>>
        tpu.vector_store_idx %parallel_loop3A_204[%parallel_loop3A_197, %parallel_loop3A_153], %parallel_loop3A_200 : memref<64x129xf32, #tpu.memory_space<vmem>>[vector<16xi32>, vector<16xi32>], vector<16xf32>,
        %parallel_loop3A_205 = arith.constant 0 : i32
        %parallel_loop3A_206 = arith.constant 0 : i32
        %parallel_loop3A_207 = tpu.memref_slice %arg6[%parallel_loop3A_135, %parallel_loop3A_205, %parallel_loop3A_206] : memref<2x128x128xf32, #tpu.memory_space<vmem>> -> memref<1x128x128xf32, #tpu.memory_space<vmem>>
        %parallel_loop3A_208 = tpu.memref_squeeze %parallel_loop3A_207 : memref<1x128x128xf32, #tpu.memory_space<vmem>> -> memref<128x128xf32, #tpu.memory_space<vmem>>
        %parallel_loop3A_209 = arith.index_cast %parallel_loop3A_152 : i32 to index
        %parallel_loop3A_210 = arith.constant 48 : index
        %parallel_loop3A_211 = tpu.vector_load %parallel_loop3A_208[%parallel_loop3A_209, %parallel_loop3A_210] {strides = array<i32>} : memref<128x128xf32, #tpu.memory_space<vmem>>, vector<16xf32>,
        %parallel_loop3A_212 = arith.constant 48 : i32
        %parallel_loop3A_213 = vector.broadcast %parallel_loop3A_212 : i32 to vector<16xi32>
        %parallel_loop3A_214 = arith.addi %iota3A_131, %parallel_loop3A_213 : vector<16xi32>
        %parallel_loop3A_215 = arith.constant 8.000000e+00 : f32
        %parallel_loop3A_216 = vector.broadcast %parallel_loop3A_215 : f32 to vector<16xf32>
        %parallel_loop3A_217 = arith.mulf %parallel_loop3A_211, %parallel_loop3A_216 : vector<16xf32>
        %parallel_loop3A_218 = arith.constant 0 : i32
        %parallel_loop3A_219 = arith.constant 0 : i32
        %parallel_loop3A_220 = tpu.memref_slice %arg7[%parallel_loop3A_136, %parallel_loop3A_218, %parallel_loop3A_219] : memref<2x64x129xf32, #tpu.memory_space<vmem>> -> memref<1x64x129xf32, #tpu.memory_space<vmem>>
        %parallel_loop3A_221 = tpu.memref_squeeze %parallel_loop3A_220 : memref<1x64x129xf32, #tpu.memory_space<vmem>> -> memref<64x129xf32, #tpu.memory_space<vmem>>
        tpu.vector_store_idx %parallel_loop3A_221[%parallel_loop3A_214, %parallel_loop3A_153], %parallel_loop3A_217 : memref<64x129xf32, #tpu.memory_space<vmem>>[vector<16xi32>, vector<16xi32>], vector<16xf32>,
      } {sc.loop_unroll_factor = 4 : i64, sc.parallel_access}
      %dma_start3A_137 = arith.constant 1 : i32
      %dma_start3A_138 = arith.constant 0 : i32
      %dma_start3A_139 = arith.constant 0 : i32
      %dma_start3A_140 = tpu.memref_slice %arg7[%dma_start3A_137, %dma_start3A_138, %dma_start3A_139] : memref<2x64x129xf32, #tpu.memory_space<vmem>> -> memref<1x64x128xf32, #tpu.memory_space<vmem>>
      %dma_start3A_141 = tpu.memref_squeeze %dma_start3A_140 : memref<1x64x128xf32, #tpu.memory_space<vmem>> -> memref<64x128xf32, #tpu.memory_space<vmem>>
      %dma_start3A_142 = arith.constant 0 : i32
      %dma_start3A_143 = tpu.memref_slice %arg4[%add3A_103, %dma_start3A_142, %mul3A_2] : memref<200x64x4096xf32, #tpu.memory_space<hbm>> -> memref<1x64x128xf32, #tpu.memory_space<hbm>>
      %dma_start3A_144 = tpu.memref_squeeze %dma_start3A_143 : memref<1x64x128xf32, #tpu.memory_space<hbm>> -> memref<64x128xf32, #tpu.memory_space<hbm>>
      %dma_start3A_145 = arith.constant 0 : i32
      %dma_start3A_146 = tpu.memref_slice %arg4[%add3A_103, %dma_start3A_145, %mul3A_2] : memref<200x64x4096xf32, #tpu.memory_space<hbm>> -> memref<1x64x128xf32, #tpu.memory_space<hbm>>
      %dma_start3A_147 = tpu.memref_squeeze %dma_start3A_146 : memref<1x64x128xf32, #tpu.memory_space<hbm>> -> memref<64x128xf32, #tpu.memory_space<hbm>>
      %dma_start3A_148 = arith.constant 0 : i32
      %dma_start3A_149 = arith.constant 0 : i32
      %dma_start3A_150 = tpu.memref_slice %arg7[%dma_start3A_137, %dma_start3A_148, %dma_start3A_149] : memref<2x64x129xf32, #tpu.memory_space<vmem>> -> memref<1x64x128xf32, #tpu.memory_space<vmem>>
      %dma_start3A_151 = tpu.memref_squeeze %dma_start3A_150 : memref<1x64x128xf32, #tpu.memory_space<vmem>> -> memref<64x128xf32, #tpu.memory_space<vmem>>
      tpu.enqueue_dma source(%dma_start3A_151 : memref<64x128xf32, #tpu.memory_space<vmem>>) target(%dma_start3A_147 : memref<64x128xf32, #tpu.memory_space<hbm>>) target_semaphore(%arg11 : memref<!tpu.dma_semaphore, #tpu.memory_space<semaphore_mem>>)
    }
    %scan3A_17 = arith.constant 100 : i32
    %dma_wait3A = arith.constant 0 : i32
    %dma_wait3A_18 = arith.constant 0 : i32
    %dma_wait3A_19 = arith.constant 0 : i32
    %dma_wait3A_20 = arith.constant 0 : i32
    %dma_wait3A_21 = tpu.memref_slice %arg7[%dma_wait3A, %dma_wait3A_19, %dma_wait3A_20] : memref<2x64x129xf32, #tpu.memory_space<vmem>> -> memref<1x64x128xf32, #tpu.memory_space<vmem>>
    %dma_wait3A_22 = tpu.memref_squeeze %dma_wait3A_21 : memref<1x64x128xf32, #tpu.memory_space<vmem>> -> memref<64x128xf32, #tpu.memory_space<vmem>>
    %dma_wait3A_23 = arith.constant 0 : i32
    %dma_wait3A_24 = arith.constant 0 : i32
    %dma_wait3A_25 = tpu.memref_slice %arg4[%dma_wait3A_18, %dma_wait3A_23, %dma_wait3A_24] : memref<200x64x4096xf32, #tpu.memory_space<hbm>> -> memref<1x64x128xf32, #tpu.memory_space<hbm>>
    %dma_wait3A_26 = tpu.memref_squeeze %dma_wait3A_25 : memref<1x64x128xf32, #tpu.memory_space<hbm>> -> memref<64x128xf32, #tpu.memory_space<hbm>>
    %dma_wait3A_27 = arith.constant 0 : i32
    %dma_wait3A_28 = arith.constant 0 : i32
    %dma_wait3A_29 = tpu.memref_slice %arg4[%dma_wait3A_18, %dma_wait3A_27, %dma_wait3A_28] : memref<200x64x4096xf32, #tpu.memory_space<hbm>> -> memref<1x64x128xf32, #tpu.memory_space<hbm>>
    %dma_wait3A_30 = tpu.memref_squeeze %dma_wait3A_29 : memref<1x64x128xf32, #tpu.memory_space<hbm>> -> memref<64x128xf32, #tpu.memory_space<hbm>>
    %dma_wait3A_31 = arith.constant 0 : i32
    %dma_wait3A_32 = arith.constant 0 : i32
    %dma_wait3A_33 = tpu.memref_slice %arg7[%dma_wait3A, %dma_wait3A_31, %dma_wait3A_32] : memref<2x64x129xf32, #tpu.memory_space<vmem>> -> memref<1x64x128xf32, #tpu.memory_space<vmem>>
    %dma_wait3A_34 = tpu.memref_squeeze %dma_wait3A_33 : memref<1x64x128xf32, #tpu.memory_space<vmem>> -> memref<64x128xf32, #tpu.memory_space<vmem>>
    tpu.wait_dma2 semaphore(%arg10 : memref<!tpu.dma_semaphore, #tpu.memory_space<semaphore_mem>>) src(%dma_wait3A_34 : memref<64x128xf32, #tpu.memory_space<vmem>>) dst(%dma_wait3A_30 : memref<64x128xf32, #tpu.memory_space<hbm>>)
    %dma_wait3A_35 = arith.constant 1 : i32
    %dma_wait3A_36 = arith.constant 0 : i32
    %dma_wait3A_37 = arith.constant 0 : i32
    %dma_wait3A_38 = arith.constant 0 : i32
    %dma_wait3A_39 = tpu.memref_slice %arg7[%dma_wait3A_35, %dma_wait3A_37, %dma_wait3A_38] : memref<2x64x129xf32, #tpu.memory_space<vmem>> -> memref<1x64x128xf32, #tpu.memory_space<vmem>>
    %dma_wait3A_40 = tpu.memref_squeeze %dma_wait3A_39 : memref<1x64x128xf32, #tpu.memory_space<vmem>> -> memref<64x128xf32, #tpu.memory_space<vmem>>
    %dma_wait3A_41 = arith.constant 0 : i32
    %dma_wait3A_42 = arith.constant 0 : i32
    %dma_wait3A_43 = tpu.memref_slice %arg4[%dma_wait3A_36, %dma_wait3A_41, %dma_wait3A_42] : memref<200x64x4096xf32, #tpu.memory_space<hbm>> -> memref<1x64x128xf32, #tpu.memory_space<hbm>>
    %dma_wait3A_44 = tpu.memref_squeeze %dma_wait3A_43 : memref<1x64x128xf32, #tpu.memory_space<hbm>> -> memref<64x128xf32, #tpu.memory_space<hbm>>
    %dma_wait3A_45 = arith.constant 0 : i32
    %dma_wait3A_46 = arith.constant 0 : i32
    %dma_wait3A_47 = tpu.memref_slice %arg4[%dma_wait3A_36, %dma_wait3A_45, %dma_wait3A_46] : memref<200x64x4096xf32, #tpu.memory_space<hbm>> -> memref<1x64x128xf32, #tpu.memory_space<hbm>>
    %dma_wait3A_48 = tpu.memref_squeeze %dma_wait3A_47 : memref<1x64x128xf32, #tpu.memory_space<hbm>> -> memref<64x128xf32, #tpu.memory_space<hbm>>
    %dma_wait3A_49 = arith.constant 0 : i32
    %dma_wait3A_50 = arith.constant 0 : i32
    %dma_wait3A_51 = tpu.memref_slice %arg7[%dma_wait3A_35, %dma_wait3A_49, %dma_wait3A_50] : memref<2x64x129xf32, #tpu.memory_space<vmem>> -> memref<1x64x128xf32, #tpu.memory_space<vmem>>
    %dma_wait3A_52 = tpu.memref_squeeze %dma_wait3A_51 : memref<1x64x128xf32, #tpu.memory_space<vmem>> -> memref<64x128xf32, #tpu.memory_space<vmem>>
    tpu.wait_dma2 semaphore(%arg11 : memref<!tpu.dma_semaphore, #tpu.memory_space<semaphore_mem>>) src(%dma_wait3A_52 : memref<64x128xf32, #tpu.memory_space<vmem>>) dst(%dma_wait3A_48 : memref<64x128xf32, #tpu.memory_space<hbm>>)
    return
  }
}

</mosaic_0001>

<sc_bundles>
// kernel: _emb_lookup.3.cloned.1.call-start
scs
__scs_entry_jumppad:
0x0: {  	(pc) =	sbr.rel $0x88, $3  }
0x1: {  	(tag) =	ssettag $0x0;
	lr =	simm.s32 $0x1  }
0x2: {  	[smem:$0x3F9F] =	sst lr;
	_ =	strace $0xD0000000  }
0x3: {  	_ = 	snop  }
0x4: {  	_ = 	snop  }
0x5: {  	_ = 	snop  }
0x6: {  	_ = 	snop  }
0x7: {  	_ = 	snop  }
__scs_overlays_trampoline_lowered:
0x8: {  	[smem:$0x3FAE] =	sst s0  }
0x9: {  	[smem:$0x3FAF] =	sst s1  }
0xa: {  	[smem:$0x3FB0] =	sst s2  }
0xb: {  	[smem:$0x3FB1] =	sst s3  }
0xc: {  	[smem:$0x3FB2] =	sst s4  }
0xd: {  	[smem:$0x3FB3] =	sst s5  }
0xe: {  	[smem:$0x3FB4] =	sst s6  }
0xf: {  	[smem:$0x3FB5] =	sst s7  }
0x10: {  	[smem:$0x3FB6] =	sst s8  }
0x11: {  	[smem:$0x3FB7] =	sst s9;
	s0 =	simm.s32 @!p0 $0x0  }
0x12: {  	s1 =	sld [smem:$0x3F9D];
	s0 =	simm.s32 @p0 $0x1  }
0x13: {  	[smem:$0x3FB8] =	sst s0;
	s0 =	simm.s32 @!p1 $0x0  }
0x14: {  	s2 =	sld [smem:$0x3F9C];
	s0 =	simm.s32 @p1 $0x1  }
0x15: {  	[smem:$0x3FB9] =	sst s0;
	s0 =	simm.s32 @!p2 $0x0  }
0x16: {  	s3 =	sld [smem:$0x3FDB];
	s0 =	simm.s32 @p2 $0x1  }
0x17: {  	s4 =	simm.s32 $0x1BF5;
	[smem:$0x3FBB] =	sst s0  }
0x18: {  	s0 =	sld [smem:$0x3F9E];
	_ =	swait.ge [sflag:s4], $0x0  }
0x19: {  	s7 =	sld [smem:$0x3F9F]  }
0x1a: {  	s8 =	sadd.s32 $0xFFFFE003, lr  }
0x1b: {  	s9 =	sadd.s32 $0xFFFFFEF7, lr;
	s5 =	simm.s32 $0xFFFFFFFF;
	p2 =	slt.u32 s8, $0xFFFFF086  }
0x1c: {  	p1 =	slt.u32 s9, $0xF7A;
	s5 =	simm.s32 @!p2 $0x0  }
0x1d: {  	s5 =	simm.s32 @p1 $0x1;
	p0 =	seq.s32 s7, s2  }
0x1e: {  	s7 =	smul.u32 @!p0 $0xF7A, s2;
	p2 =	seq.s32 @!p0 s5, $0x0  }
0x1f: {  	s9 =	smul.u32 $0xF7A, s1;
	s8 =	simm.s32 @!p0 $0x1BF5;
	p2 =	por !p2, p0  }
0x20: {  	[sflag:s8] =	ssyncset.s32 @!p0 $0xFFFFF086;
	s6 =	sadd.s32 @!p0 s3, s7;
	s7 =	simm.s32 @!p0 $0x108  }
0x21: {  	s3 =	sadd.s32 s3, s9;
	s6 =	sadd.s32 @!p0 $0x88, s6;
	s7 =	simm.s32 @p2 $0x1082  }
0x22: {  	[simem:s7], [sflag:s8] =	dma.local @!p0 [hbm:s6], $0xF7A  }
0x23: {  	s9 =	sor.u32 $0xD0000000, s2;
	s6 =	simm.s32 $0x108;
	_ =	swait.ge @!p0 [sflag:s8], $0x0  }
0x24: {  	s3 =	sadd.s32 $0x88, s3;
	s6 =	simm.s32 @!p1 $0x1082;
	[sflag:s4] =	ssyncset.s32 $0xFFFFF086  }
0x25: {  	[simem:s6], [sflag:s4] =	dma.local [hbm:s3], $0xF7A  }
0x26: {  	[smem:$0x3F9F] =	sst s1;
	(tag) =	ssettag s2;
	_ =	strace s9  }
0x27: {  	s1 =	sld [smem:$0x3FAF]  }
0x28: {  	s2 =	sld [smem:$0x3FB0]  }
0x29: {  	s4 =	sld [smem:$0x3FB2]  }
0x2a: {  	p0 =	seq.s32 s5, $0x0;
	s5 =	sld [smem:$0x3FB3]  }
0x2b: {  	s6 =	sld [smem:$0x3FB4]  }
0x2c: {  	s7 =	sld [smem:$0x3FB5]  }
0x2d: {  	s3 =	simm.s32 $0x108;
	s8 =	sld [smem:$0x3FB6]  }
0x2e: {  	s3 =	simm.s32 @!p0 $0x1082;
	s9 =	sld [smem:$0x3FB7]  }
0x2f: {  	lr =	sadd.s32 s0, s3;
	s0 =	sld [smem:$0x3FAE]  }
0x30: {  	s3 =	sld [smem:$0x3FB1]  }
0x31: {  	[smem:$0x3FBA] =	sst s10  }
0x32: {  	s10 =	sld [smem:$0x3FB8];
	_ =	sdelay $0x3  }
0x33: {  	p0 =	seq.s32 s10, $0x1;
	s10 =	sld [smem:$0x3FBA];
	_ =	sdelay $0x3  }
0x34: {  	[smem:$0x3FBA] =	sst s10  }
0x35: {  	s10 =	sld [smem:$0x3FB9];
	_ =	sdelay $0x3  }
0x36: {  	p1 =	seq.s32 s10, $0x1;
	s10 =	sld [smem:$0x3FBA];
	_ =	sdelay $0x3  }
0x37: {  	[smem:$0x3FBA] =	sst s10  }
0x38: {  	s10 =	sld [smem:$0x3FBB]  }
0x39: {  	_ = 	snop;
	(pc) =	sbr.ind lr, $3  }
0x3a: {  	_ = 	snop  }
0x3b: {  	_ = 	snop  }
0x3c: {  	p2 =	seq.s32 s10, $0x1;
	s10 =	sld [smem:$0x3FBA]  }
0x3d: {  	_ =	shalt  }
0x3e: {  	_ =	shalt  }
0x3f: {  	_ =	shalt  }
0x40: {  	_ =	shalt  }
0x41: {  	_ =	shalt  }
0x42: {  	_ =	shalt  }
0x43: {  	_ =	shalt  }
0x44: {  	_ =	shalt  }
0x45: {  	_ =	shalt  }
0x46: {  	_ =	shalt  }
0x47: {  	_ =	shalt  }
0x48: {  	_ =	shalt  }
0x49: {  	_ =	shalt  }
0x4a: {  	_ =	shalt  }
0x4b: {  	_ =	shalt  }
0x4c: {  	_ =	shalt  }
0x4d: {  	_ =	shalt  }
0x4e: {  	_ =	shalt  }
0x4f: {  	_ =	shalt  }
0x50: {  	_ =	shalt  }
0x51: {  	_ =	shalt  }
0x52: {  	_ =	shalt  }
0x53: {  	_ =	shalt  }
0x54: {  	_ =	shalt  }
0x55: {  	_ =	shalt  }
0x56: {  	_ =	shalt  }
0x57: {  	_ =	shalt  }
0x58: {  	_ =	shalt  }
0x59: {  	_ =	shalt  }
0x5a: {  	_ =	shalt  }
0x5b: {  	_ =	shalt  }
0x5c: {  	_ =	shalt  }
0x5d: {  	_ =	shalt  }
0x5e: {  	_ =	shalt  }
0x5f: {  	_ =	shalt  }
0x60: {  	_ =	shalt  }
0x61: {  	_ =	shalt  }
0x62: {  	_ =	shalt  }
0x63: {  	_ =	shalt  }
0x64: {  	_ =	shalt  }
0x65: {  	_ =	shalt  }
0x66: {  	_ =	shalt  }
0x67: {  	_ =	shalt  }
0x68: {  	_ =	shalt  }
0x69: {  	_ =	shalt  }
0x6a: {  	_ =	shalt  }
0x6b: {  	_ =	shalt  }
0x6c: {  	_ =	shalt  }
0x6d: {  	_ =	shalt  }
0x6e: {  	_ =	shalt  }
0x6f: {  	_ =	shalt  }
0x70: {  	_ =	shalt  }
0x71: {  	_ =	shalt  }
0x72: {  	_ =	shalt  }
0x73: {  	_ =	shalt  }
0x74: {  	_ =	shalt  }
0x75: {  	_ =	shalt  }
0x76: {  	_ =	shalt  }
0x77: {  	_ =	shalt  }
0x78: {  	_ =	shalt  }
0x79: {  	_ =	shalt  }
0x7a: {  	_ =	shalt  }
0x7b: {  	_ =	shalt  }
0x7c: {  	_ =	shalt  }
0x7d: {  	_ =	shalt  }
0x7e: {  	_ =	shalt  }
0x7f: {  	_ =	shalt  }
0x80: {  	_ =	shalt  }
0x81: {  	_ =	shalt  }
0x82: {  	_ =	shalt  }
0x83: {  	_ =	shalt  }
0x84: {  	_ =	shalt  }
0x85: {  	_ =	shalt  }
0x86: {  	_ =	shalt  }
0x87: {  	_ =	shalt  }
.Lfunc_end0:
.L_simem_size_0:
called_computation_lowered:
.L_overlay_start_0:
0x88: {  	s2 =	sld [smem:$0x3FD9]  }
0x89: {  	s3 =	sld [smem:$0x3FFE];
	_ =	sdelay $0x1  }
0x8a: {  	s1 =	srdreg.scid  }
0x8b: {  	s0 =	sand.u32 $0x1, s1  }
0x8c: {  	s17 =	sshll.u32 s0, $0xA;
	s2 =	sadd.s32 s3, s2  }
0x8d: {  	s2 =	sadd.s32 s2, s17  }
0x8e: {  	[smem:$0x3FC6] =	sst s2  }
0x8f: {  	_ = 	snop  }
0x90: {  	s2 =	sld [smem:$0x3FC8]  }
0x91: {  	s18 =	sld [smem:$0x3FD0];
	(tm) =	ssettm $0x1  }
0x92: {  	s4 =	sld [smem:$0x3FFB];
	_ =	sdelay $0x3  }
0x93: {  	_ =	strace s4  }
0x94: {  	s4 =	sld [smem:$0x3FFC];
	_ =	sdelay $0x3  }
0x95: {  	_ =	strace s4  }
0x96: {  	s4 =	sld [smem:$0x3FFD];
	_ =	sdelay $0x3  }
0x97: {  	_ =	strace s4  }
0x98: {  	_ =	strace $0x8FFFFFFF  }
0x99: {  	s19 =	sld [smem:$0x3FDB];
	_ =	sdelay $0x1  }
0x9a: {  	s5 =	simm.s32 $_scs_section_size  }
0x9b: {  	s6 =	simm.s32 $_size__tile_overlayer_lowered;
	s7 =	simm.s32 $_tile_overlayer_lowered  }
0x9c: {  	s22 =	simm.s32 $0x1BFF;
	s21 =	sshll.u32 s7, $0x1;
	s4 =	sadd.s32 s5, s19  }
0x9d: {  	s8 =	simm.s32 $0x0;
	s20 =	sshll.u32 s6, $0x1;
	s6 =	sadd.s32 s21, s4  }
0x9e: {  	[timem:s8], [sflag:s22] =	dma.local [hbm:s6], s20  }
0x9f: {  	_ =	swait.ge [sflag:s22], s20  }
0xa0: {  	s5 =	ssub.s32 $0x0, s20;
	[sflag:s22] =	ssyncset.done $0x0  }
0xa1: {  	[sflag:s22] =	ssyncadd.s32 s5;
	_ =	sdelay $0x1  }
0xa2: {  	s23 =	simm.s32 $0x1B8B  }
0xa3: {  	_ =	swait.ge [sflag:s23], $0x1  }
0xa4: {  	[sflag:s23] =	ssyncset.done $0x0  }
0xa5: {  	s25 =	simm.s32 $0x1B8E;
	s24 =	sld [smem:$0x3FFE];
	[sflag:s23] =	ssyncadd.s32 $0xFFFFFFFF  }
0xa6: {  	s26 =	simm.s32 $execute0_lowered;
	[smem:$0x3FD2] =	sst s25  }
0xa7: {  	s6 =	sshll.u32 s26, $0x1;
	_ =	strace $0x80000046;
	[dreg:$0x1] =	wrdreg $0xFFFFFFFF  }
0xa8: {  	s28 =	simm.s32 $_size_execute0_lowered;
	s4 =	sadd.s32 s4, s6;
	[dreg:$0x0] =	wrdreg $0x0  }
0xa9: {  	s6 =	sshll.u32 s28, $0x1;
	[dreg:$0x2] =	wrdreg s4  }
0xaa: {  	[dreg:$0x3] =	wrdreg s6  }
0xab: {  	[dreg:$0x4] =	wrdreg $0xC0  }
0xac: {  	_ =	task [dreg:s8], $0x5FFFF  }
0xad: {  	[dreg:$0x1] =	wrdreg $0xFFFFFFFF  }
0xae: {  	[dreg:$0x0] =	wrdreg $0x60  }
0xaf: {  	[dreg:$0x2] =	wrdreg s18  }
0xb0: {  	[dreg:$0x3] =	wrdreg s2  }
0xb1: {  	[dreg:$0x4] =	wrdreg s24  }
0xb2: {  	[dreg:$0x5] =	wrdreg $0x9  }
0xb3: {  	_ =	task.clear_ibuf [dreg:s8], $0x6FFFF;
	_ =	strace $0x90000046  }
0xb4: {  	s29 =	simm.s32 $0x9;
	_ =	strace $0x80000048  }
0xb5: {  	_ =	swait.ge [sflag:s29], $0x1  }
0xb6: {  	[sflag:s29] =	ssyncadd.s32 $0xFFFFFFFF  }
0xb7: {  	_ =	strace $0x90000048  }
0xb8: {  	_ =	sfence  }
0xb9: {  	s30 =	sld [smem:$0x0];
	_ =	sdelay $0x2  }
0xba: {  	s31 =	sshll.u32 s1, $0xD;
	s1 =	sshrl.u32 s1, $0x2  }
0xbb: {  	s3 =	sand.u32 $0x4000, s31;
	s1 =	sadd.s32 s1, s30  }
0xbc: {  	s0 =	sor.u32 s3, s0;
	s1 =	sshll.u32 s1, $0x11  }
0xbd: {  	s0 =	sor.u32 s1, s0  }
0xbe: {  	s0 =	sadd.s32 $0x8F2B, s0  }
0xbf: {  	[sflag:s0] =	ssyncadd.remote.s32 $0x1  }
0xc0: {  	_ =	sfence.sel $0xFFFF  }
0xc1: {  	[dreg:$0x0] =	wrdreg $0xFFFFFFFF;
	(pc) =	sbr.abs _section_cstart, $3  }
0xc2: {  	[dreg:$0x1] =	wrdreg $0xFFFFFFFF  }
0xc3: {  	_ =	task.clear_ibuf [dreg:s8], $0x2FFFF;
	_ =	strace $0x9FFFFFFF  }
0xc4: {  	(tm) =	ssettm $0x7FFFFFFF  }
0xc5: {  	_ =	shalt  }
tec
execute0_lowered:
.L_overlay_start_1:
0x0: {  	(tag) =	ssettag $0x1  }
0x1: {  	s6 =	rddreg [dreg:$0x0]  }
0x2: {  	s1 =	rddreg [dreg:$0x1]  }
0x3: {  	s5 =	rddreg [dreg:$0x2]  }
0x4: {  	s0 =	rddreg [dreg:$0x3];
	s4 =	srdreg.scid  }
0x5: {  	s3 =	simm.s32 $0x0;
	s2 =	stileid.u32;
	s10 =	simm.s32 $0x5  }
0x6: {  	s11 =	simm.s32 $0x6400;
	s12 =	simm.s32 $0xA400;
	s13 =	simm.s32 $0x1  }
0x7: {  	s14 =	simm.s32 $0xE400;
	s15 =	simm.s32 $0x2;
	s16 =	simm.s32 $0x4  }
0x8: {  	s17 =	simm.s32 $0x10600;
	s18 =	simm.s32 $0x3;
	s19 =	simm.s32 $0x0  }
0x9: {  	s4 =	sand.u32 $0x1, s4;
	s8 =	sshll.u32 s2, $0x8;
	[smem:$0x7FF] =	sst s3  }
0xa: {  	v0 =	vlaneseq.u32;
	s5 =	sadd.s32 $0x400, s5;
	s7 =	ssub.s32 $0x2, s4;
	s4 =	sshll.u32 s4, $0x7  }
0xb: {  	v0 =	vmul.u32 $0x88, v0;
	_ =	strace $0x80000047;
	s9 =	sshrl.u32 s7, $0x1;
	s4 =	sor.u32 s4, s8  }
0xc: {  	s7 =	ssub.s32 s7, s9;
	s8 =	sshrl.u32 s4, $0x3;
	s9 =	simm.s32 $0x1000  }
0xd: {  	v1 =	vadd.s32 $0x880, v0;
	v2 =	vadd.s32 $0x1100, v0;
	v3 =	vadd.s32 $0x1980, v0;
	s6 =	sadd.s32 s6, s8;
	s7 =	smax.u32 s7, $0x1;
	s8 =	simm.s32 $0x80  }
.LBB2_1:
0xe: {  	[tilespmem:s3], [sflag:$0x5] =	stream.strided.gather [hbm4b:s6+s8], $0x6400, s9, s8, $0x38;
	[tilespmem:$0x12800] =	vst v63  }
0xf: {  	_ =	swait.ge [sflag:s10], $0x6400  }
0x10: {  	[sflag:s10] =	ssyncset.done $0x0  }
0x11: {  	s20 =	simm.s32 $0x0;
	[sflag:s10] =	ssyncadd.s32 $0xFFFF9C00  }
0x12: {  	[tilespmem:s11], [sflag:$0x1] =	stream.indirect.gather [hbm4b:s1+s8], $0x80, s3, s8, $0xb8;
	[tilespmem:$0x12800] =	vst v63  }
.LBB2_2:
0x13: {  	s21 =	sshllo.u32 s20, $0x1  }
0x14: {  	s22 =	sshll.u32 s21, $0x7  }
0x15: {  	s22 =	sand.u32 $0x3FFFFF80, s22  }
0x16: {  	[tilespmem:s12], [sflag:$0x2] =	stream.indirect.gather [hbm4b:s1+s8], $0x80, s22, s8, $0xb8;
	[tilespmem:$0x12800] =	vst v63  }
0x17: {  	_ =	swait.ge [sflag:s13], $0x4000  }
0x18: {  	p0 =	seq.s32 s20, $0x0;
	[sflag:s13] =	ssyncset.done $0x0  }
0x19: {  	s22 =	simm.s32 @!p0 $0x3;
	[sflag:s13] =	ssyncadd.s32 $0xFFFFC000  }
0x1a: {  	_ =	swait.ge @!p0 [sflag:s22], $0x2000  }
0x1b: {  	[sflag:s22] =	ssyncset.done @!p0 $0x0  }
0x1c: {  	s25 =	simm.s32 $0x6500;
	s24 =	simm.s32 $0x3;
	[sflag:s22] =	ssyncadd.s32 @!p0 $0xFFFFE000  }
0x1d: {  	v4 =	vmov s24;
	v5 =	vld [tilespmem:s25+$0x80]  }
0x1e: {  	v9 =	vand.u32 $0x7F, v4  }
0x1f: {  	s26 =	simm.s32 $0x0;
	v4 =	vadd.s32 v0, v9  }
0x20: {  	s28 =	simm.s32 $0x1;
	s23 =	simm.s32 $0x2;
	v6 =	vmov s26;
	v7 =	vld [tilespmem:s25+$0xFFFFFF00]  }
0x21: {  	v11 =	vmov s23;
	v8 =	vand.u32 $0x7C, v6;
	v6 =	vmov s28;
	v10 =	vld [tilespmem:s25+$0xFFFFFF80]  }
0x22: {  	v12 =	vadd.s32 v0, v8;
	v15 =	vand.u32 $0x7D, v6;
	v6 =	vld [tilespmem:s25+$0x0];
	v5 =	vmul.f32 $8.000000000e+00, v5  }
0x23: {  	v17 =	vand.u32 $0x7E, v11;
	v13 =	vadd.s32 v0, v15  }
0x24: {  	v11 =	vadd.s32 v0, v17;
	[tilespmem:v4+s14+$0x0] =	vst.idx.msk $0xffff, v5  }
0x25: {  	v4 =	vmul.f32 $8.000000000e+00, v7;
	v5 =	vld [tilespmem:s25+$0x90]  }
0x26: {  	v7 =	vmul.f32 $8.000000000e+00, v10  }
0x27: {  	[tilespmem:v12+s14+$0x0] =	vst.idx.msk $0xffff, v4;
	v4 =	vmul.f32 $8.000000000e+00, v6;
	v6 =	vadd.s32 v1, v9  }
0x28: {  	[tilespmem:v13+s14+$0x0] =	vst.idx.msk $0xffff, v7;
	v10 =	vld [tilespmem:s25+$0xFFFFFF10]  }
0x29: {  	v7 =	vld [tilespmem:s25+$0xFFFFFF90];
	[tilespmem:v11+s14+$0x0] =	vst.idx.msk $0xffff, v4  }
0x2a: {  	v11 =	vld [tilespmem:s25+$0x10];
	v4 =	vmul.f32 $8.000000000e+00, v5  }
0x2b: {  	s29 =	simm.s32 $0x4;
	s24 =	simm.s32 $0x7;
	s22 =	simm.s32 $0x6700;
	v12 =	vadd.s32 v1, v15  }
0x2c: {  	v14 =	vld [tilespmem:s22+$0x80];
	v13 =	vadd.s32 v1, v17;
	v5 =	vmov s29;
	[tilespmem:v6+s14+$0x0] =	vst.idx.msk $0xffff, v4;
	v6 =	vmov s24  }
0x2d: {  	v16 =	vadd.s32 v1, v8;
	v4 =	vand.u32 $0x7C, v5;
	v5 =	vand.u32 $0x7F, v6;
	v18 =	vld [tilespmem:s25+$0xA0]  }
0x2e: {  	s30 =	simm.s32 $0x5;
	v22 =	vadd.s32 v2, v9;
	v19 =	vld [tilespmem:s22+$0xFFFFFF00];
	v6 =	vmul.f32 $8.000000000e+00, v7;
	v20 =	vadd.s32 v0, v5  }
0x2f: {  	s31 =	simm.s32 $0x6;
	v21 =	vld [tilespmem:s22+$0xFFFFFF80];
	v10 =	vmul.f32 $8.000000000e+00, v10;
	v7 =	vmul.f32 $8.000000000e+00, v11;
	v11 =	vmov s30  }
0x30: {  	v23 =	vadd.s32 v0, v4;
	[tilespmem:v12+s14+$0x0] =	vst.idx.msk $0xffff, v6;
	v12 =	vmov s31;
	v6 =	vand.u32 $0x7D, v11;
	v11 =	vld [tilespmem:s22+$0x0]  }
0x31: {  	[tilespmem:v13+s14+$0x0] =	vst.idx.msk $0xffff, v7;
	v13 =	vadd.s32 v0, v6;
	v7 =	vand.u32 $0x7E, v12;
	v12 =	vmul.f32 $8.000000000e+00, v14;
	v14 =	vld [tilespmem:s25+$0xFFFFFFA0]  }
0x32: {  	[tilespmem:v16+s14+$0x0] =	vst.idx.msk $0xffff, v10;
	v10 =	vadd.s32 v0, v7;
	v16 =	vld [tilespmem:s25+$0x20];
	v18 =	vmul.f32 $8.000000000e+00, v18  }
0x33: {  	v19 =	vmul.f32 $8.000000000e+00, v19;
	[tilespmem:v20+s14+$0x0] =	vst.idx.msk $0xffff, v12;
	v12 =	vld [tilespmem:s25+$0xFFFFFF20];
	v20 =	vadd.s32 v2, v15  }
0x34: {  	v25 =	vadd.s32 v2, v17;
	v21 =	vmul.f32 $8.000000000e+00, v21;
	v24 =	vld [tilespmem:s22+$0x90];
	[tilespmem:v22+s14+$0x0] =	vst.idx.msk $0xffff, v18  }
0x35: {  	[tilespmem:v23+s14+$0x0] =	vst.idx.msk $0xffff, v19;
	v19 =	vadd.s32 v2, v8;
	v11 =	vmul.f32 $8.000000000e+00, v11;
	v22 =	vld [tilespmem:s25+$0xB0]  }
0x36: {  	v23 =	vld [tilespmem:s22+$0xFFFFFF10];
	[tilespmem:v13+s14+$0x0] =	vst.idx.msk $0xffff, v21;
	v21 =	vadd.s32 v1, v5;
	v14 =	vmul.f32 $8.000000000e+00, v14  }
0x37: {  	v27 =	vadd.s32 v3, v9;
	v26 =	vld [tilespmem:s22+$0xFFFFFF90];
	[tilespmem:v10+s14+$0x0] =	vst.idx.msk $0xffff, v11;
	v10 =	vmul.f32 $8.000000000e+00, v16  }
0x38: {  	v18 =	vadd.s32 v1, v4;
	v13 =	vld [tilespmem:s22+$0x10];
	v9 =	vmul.f32 $8.000000000e+00, v12;
	[tilespmem:v20+s14+$0x0] =	vst.idx.msk $0xffff, v14  }
0x39: {  	s24 =	simm.s32 $0x8;
	v16 =	vadd.s32 v1, v6;
	[tilespmem:v25+s14+$0x0] =	vst.idx.msk $0xffff, v10;
	v14 =	vmul.f32 $8.000000000e+00, v24;
	v12 =	vld [tilespmem:s25+$0xFFFFFFB0]  }
0x3a: {  	v20 =	vmov s24;
	v10 =	vadd.s32 v1, v7;
	v11 =	vld [tilespmem:s25+$0x30];
	[tilespmem:v19+s14+$0x0] =	vst.idx.msk $0xffff, v9;
	v63 =	vmul.f32 $8.000000000e+00, v22  }
0x3b: {  	s26 =	simm.s32 $0xB;
	s23 =	simm.s32 $0x6900;
	v15 =	vadd.s32 v3, v15;
	v9 =	vand.u32 $0x7C, v20;
	v20 =	vmul.f32 $8.000000000e+00, v23;
	[tilespmem:v21+s14+$0x0] =	vst.idx.msk $0xffff, v14;
	v14 =	vld [tilespmem:s25+$0xFFFFFF30]  }
0x3c: {  	v17 =	vadd.s32 v3, v17;
	v22 =	vmov s26;
	v19 =	vld [tilespmem:s23+$0x80];
	s25 =	simm.s32 $0xC;
	v21 =	vmul.f32 $8.000000000e+00, v26;
	[tilespmem:v27+s14+$0x0] =	vst.idx.msk $0xffff, v63  }
.LBB2_3:
0x3d: {  	p1 =	slt.u32 s25, $0x7C;
	s26 =	sadd.s32 $0x1, s24;
	v22 =	vand.u32 $0x7F, v22;
	[tilespmem:v18+s14+$0x0] =	vst.idx.msk $0xffff, v20;
	v13 =	vmul.f32 $8.000000000e+00, v13;
	v18 =	vld [tilespmem:s22+$0xA0];
	v20 =	vadd.s32 v3, v8;
	v8 =	vmovc v4  }
0x3e: {  	v4 =	vmovc v9;
	v23 =	vld [tilespmem:s23+$0xFFFFFF00];
	v24 =	vmov s26;
	s26 =	sadd.s32 $0x2, s24;
	v25 =	vadd.s32 v0, v22;
	[tilespmem:v16+s14+$0x0] =	vst.idx.msk $0xffff, v21;
	v12 =	vmul.f32 $8.000000000e+00, v12;
	s24 =	smov.u32 s25  }
0x3f: {  	v9 =	vld [tilespmem:s23+$0xFFFFFF80];
	v16 =	vmov s26;
	[tilespmem:v10+s14+$0x0] =	vst.idx.msk $0xffff, v13;
	v10 =	vadd.s32 v2, v5;
	v11 =	vmul.f32 $8.000000000e+00, v11  }
0x40: {  	v13 =	vadd.s32 v0, v4;
	v21 =	vand.u32 $0x7D, v24;
	v24 =	vld [tilespmem:s23+$0x0];
	v14 =	vmul.f32 $8.000000000e+00, v14;
	[tilespmem:v15+s14+$0x0] =	vst.idx.msk $0xffff, v12  }
0x41: {  	v12 =	vadd.s32 v0, v21;
	v26 =	vand.u32 $0x7E, v16;
	v15 =	vmul.f32 $8.000000000e+00, v19;
	v16 =	vld [tilespmem:s22+$0xFFFFFFA0];
	[tilespmem:v17+s14+$0x0] =	vst.idx.msk $0xffff, v11  }
0x42: {  	v11 =	vadd.s32 v0, v26;
	v17 =	vld [tilespmem:s22+$0x20];
	v18 =	vmul.f32 $8.000000000e+00, v18;
	[tilespmem:v20+s14+$0x0] =	vst.idx.msk $0xffff, v14  }
0x43: {  	v19 =	vadd.s32 v2, v6;
	v14 =	vmul.f32 $8.000000000e+00, v23;
	[tilespmem:v25+s14+$0x0] =	vst.idx.msk $0xffff, v15;
	v15 =	vld [tilespmem:s22+$0xFFFFFF20]  }
0x44: {  	v23 =	vadd.s32 v2, v7;
	v9 =	vmul.f32 $8.000000000e+00, v9;
	v20 =	vld [tilespmem:s23+$0x90];
	[tilespmem:v10+s14+$0x0] =	vst.idx.msk $0xffff, v18  }
0x45: {  	[tilespmem:v13+s14+$0x0] =	vst.idx.msk $0xffff, v14;
	v10 =	vmul.f32 $8.000000000e+00, v24;
	v14 =	vadd.s32 v2, v8;
	v24 =	vld [tilespmem:s22+$0xB0]  }
0x46: {  	v27 =	vadd.s32 v1, v22;
	v25 =	vld [tilespmem:s23+$0xFFFFFF10];
	[tilespmem:v12+s14+$0x0] =	vst.idx.msk $0xffff, v9;
	v9 =	vmul.f32 $8.000000000e+00, v16  }
0x47: {  	v29 =	vadd.s32 v3, v5;
	v5 =	vmov v22;
	v28 =	vld [tilespmem:s23+$0xFFFFFF90];
	[tilespmem:v11+s14+$0x0] =	vst.idx.msk $0xffff, v10;
	v10 =	vmul.f32 $8.000000000e+00, v17  }
.Ltmp0:
0x48: {  	v18 =	vadd.s32 v1, v4;
	v13 =	vld [tilespmem:s23+$0x10];
	v11 =	vmul.f32 $8.000000000e+00, v15;
	[tilespmem:v19+s14+$0x0] =	vst.idx.msk $0xffff, v9;
	(pc) =	sbr.rel @p1 .LBB2_3-.Ltmp0, $4  }
0x49: {  	v16 =	vadd.s32 v1, v21;
	v15 =	vmul.f32 $8.000000000e+00, v20;
	v12 =	vld [tilespmem:s22+$0xFFFFFFB0];
	[tilespmem:v23+s14+$0x0] =	vst.idx.msk $0xffff, v10  }
0x4a: {  	v9 =	vmov s25;
	v10 =	vadd.s32 v1, v26;
	[tilespmem:v14+s14+$0x0] =	vst.idx.msk $0xffff, v11;
	v11 =	vld [tilespmem:s22+$0x30];
	v23 =	vmul.f32 $8.000000000e+00, v24  }
0x4b: {  	s26 =	sadd.s32 $0x3, s25;
	v9 =	vand.u32 $0x7C, v9;
	v20 =	vmul.f32 $8.000000000e+00, v25;
	[tilespmem:v27+s14+$0x0] =	vst.idx.msk $0xffff, v15;
	v14 =	vld [tilespmem:s22+$0xFFFFFF30];
	v15 =	vadd.s32 v3, v6;
	v6 =	vmovc v21;
	s22 =	smov.u32 s23;
	s23 =	sadd.s32 $0x200, s23  }
0x4c: {  	v22 =	vmov s26;
	v17 =	vadd.s32 v3, v7;
	v7 =	vmovc v26;
	s25 =	sadd.s32 $0x4, s25;
	v19 =	vld [tilespmem:s23+$0x80];
	v21 =	vmul.f32 $8.000000000e+00, v28;
	[tilespmem:v29+s14+$0x0] =	vst.idx.msk $0xffff, v23  }
0x4d: {  	s25 =	sadd.s32 $0x1, s24;
	v22 =	vand.u32 $0x7F, v22;
	v28 =	vld [tilespmem:s23+$0xFFFFFF00]  }
0x4e: {  	s30 =	sadd.s32 $0x2, s24;
	v24 =	vld [tilespmem:s23+$0xFFFFFF80];
	v23 =	vmov s25;
	v25 =	vadd.s32 v0, v22  }
0x4f: {  	v27 =	vld [tilespmem:s23+$0x0];
	v51 =	vadd.s32 v0, v9;
	v26 =	vmov s30;
	v23 =	vand.u32 $0x7D, v23  }
0x50: {  	v26 =	vand.u32 $0x7E, v26;
	v29 =	vadd.s32 v0, v23  }
0x51: {  	[tilespmem:v18+s14+$0x0] =	vst.idx.msk $0xffff, v20;
	v30 =	vadd.s32 v0, v26;
	v19 =	vmul.f32 $8.000000000e+00, v19  }
0x52: {  	[tilespmem:v16+s14+$0x0] =	vst.idx.msk $0xffff, v21;
	v54 =	vmul.f32 $8.000000000e+00, v28  }
0x53: {  	v52 =	vmul.f32 $8.000000000e+00, v24;
	[tilespmem:v25+s14+$0x0] =	vst.idx.msk $0xffff, v19  }
0x54: {  	v53 =	vmul.f32 $8.000000000e+00, v27;
	v55 =	vld [tilespmem:s23+$0x90];
	[tilespmem:v51+s14+$0x0] =	vst.idx.msk $0xffff, v54  }
0x55: {  	v13 =	vmul.f32 $8.000000000e+00, v13;
	v8 =	vadd.s32 v3, v8;
	[tilespmem:v29+s14+$0x0] =	vst.idx.msk $0xffff, v52;
	v59 =	vld [tilespmem:s23+$0xFFFFFF10]  }
0x56: {  	v12 =	vmul.f32 $8.000000000e+00, v12;
	v57 =	vadd.s32 v1, v22;
	[tilespmem:v30+s14+$0x0] =	vst.idx.msk $0xffff, v53;
	v56 =	vld [tilespmem:s23+$0xFFFFFF90]  }
0x57: {  	[tilespmem:v10+s14+$0x0] =	vst.idx.msk $0xffff, v13;
	v58 =	vmul.f32 $8.000000000e+00, v11;
	v28 =	vadd.s32 v1, v9;
	v19 =	vld [tilespmem:s23+$0x10]  }
0x58: {  	v61 =	vld [tilespmem:s22+$0xA0];
	v60 =	vadd.s32 v1, v23;
	v14 =	vmul.f32 $8.000000000e+00, v14;
	[tilespmem:v15+s14+$0x0] =	vst.idx.msk $0xffff, v12  }
0x59: {  	v32 =	vld [tilespmem:s22+$0xFFFFFF20];
	v62 =	vadd.s32 v1, v26;
	[tilespmem:v17+s14+$0x0] =	vst.idx.msk $0xffff, v58;
	v16 =	vmul.f32 $8.000000000e+00, v55  }
0x5a: {  	[tilespmem:v8+s14+$0x0] =	vst.idx.msk $0xffff, v14;
	v29 =	vadd.s32 v2, v5;
	v30 =	vld [tilespmem:s22+$0x20];
	v11 =	vmul.f32 $8.000000000e+00, v59  }
0x5b: {  	v38 =	vadd.s32 v2, v4;
	v63 =	vld [tilespmem:s22+$0xFFFFFFA0];
	v31 =	vmul.f32 $8.000000000e+00, v56;
	[tilespmem:v57+s14+$0x0] =	vst.idx.msk $0xffff, v16  }
0x5c: {  	v35 =	vadd.s32 v2, v7;
	v34 =	vmul.f32 $8.000000000e+00, v19;
	v36 =	vld [tilespmem:s23+$0xA0];
	[tilespmem:v28+s14+$0x0] =	vst.idx.msk $0xffff, v11  }
0x5d: {  	v33 =	vadd.s32 v2, v6;
	v37 =	vmul.f32 $8.000000000e+00, v61;
	[tilespmem:v60+s14+$0x0] =	vst.idx.msk $0xffff, v31;
	v43 =	vld [tilespmem:s23+$0xFFFFFF20]  }
0x5e: {  	v40 =	vadd.s32 v2, v22;
	v14 =	vmul.f32 $8.000000000e+00, v32;
	[tilespmem:v62+s14+$0x0] =	vst.idx.msk $0xffff, v34;
	v39 =	vld [tilespmem:s23+$0xFFFFFFA0]  }
0x5f: {  	v48 =	vadd.s32 v2, v9;
	[tilespmem:v29+s14+$0x0] =	vst.idx.msk $0xffff, v37;
	v42 =	vmul.f32 $8.000000000e+00, v30;
	v41 =	vld [tilespmem:s23+$0x20]  }
0x60: {  	v44 =	vadd.s32 v2, v23;
	v15 =	vmul.f32 $8.000000000e+00, v63;
	[tilespmem:v38+s14+$0x0] =	vst.idx.msk $0xffff, v14;
	v45 =	vld [tilespmem:s22+$0xB0]  }
0x61: {  	v46 =	vadd.s32 v2, v26;
	v14 =	vld [tilespmem:s22+$0xFFFFFF30];
	[tilespmem:v35+s14+$0x0] =	vst.idx.msk $0xffff, v42;
	v47 =	vmul.f32 $8.000000000e+00, v36  }
0x62: {  	v5 =	vadd.s32 v3, v5;
	[tilespmem:v33+s14+$0x0] =	vst.idx.msk $0xffff, v15;
	v49 =	vld [tilespmem:s22+$0x30];
	v53 =	vmul.f32 $8.000000000e+00, v43  }
0x63: {  	v4 =	vadd.s32 v3, v4;
	v21 =	vld [tilespmem:s22+$0xFFFFFFB0];
	v12 =	vmul.f32 $8.000000000e+00, v39;
	[tilespmem:v40+s14+$0x0] =	vst.idx.msk $0xffff, v47  }
0x64: {  	v52 =	vadd.s32 v3, v7;
	v51 =	vmul.f32 $8.000000000e+00, v41;
	v10 =	vld [tilespmem:s23+$0xB0];
	[tilespmem:v48+s14+$0x0] =	vst.idx.msk $0xffff, v53  }
0x65: {  	v50 =	vadd.s32 v3, v6;
	v54 =	vmul.f32 $8.000000000e+00, v45;
	[tilespmem:v44+s14+$0x0] =	vst.idx.msk $0xffff, v12;
	v59 =	vld [tilespmem:s23+$0xFFFFFF30]  }
0x66: {  	v57 =	vadd.s32 v3, v22;
	v14 =	vmul.f32 $8.000000000e+00, v14;
	[tilespmem:v46+s14+$0x0] =	vst.idx.msk $0xffff, v51;
	v55 =	vld [tilespmem:s23+$0xFFFFFFB0]  }
0x67: {  	v62 =	vadd.s32 v3, v9;
	[tilespmem:v5+s14+$0x0] =	vst.idx.msk $0xffff, v54;
	v5 =	vmul.f32 $8.000000000e+00, v49;
	v58 =	vld [tilespmem:s23+$0x30]  }
0x68: {  	v56 =	vmul.f32 $8.000000000e+00, v21;
	v60 =	vadd.s32 v3, v23;
	[tilespmem:v4+s14+$0x0] =	vst.idx.msk $0xffff, v14  }
0x69: {  	v61 =	vadd.s32 v3, v26;
	[tilespmem:v52+s14+$0x0] =	vst.idx.msk $0xffff, v5;
	v5 =	vmul.f32 $8.000000000e+00, v10  }
0x6a: {  	s31 =	sshll.u32 s20, $0x13;
	[tilespmem:v50+s14+$0x0] =	vst.idx.msk $0xffff, v56;
	v63 =	vmul.f32 $8.000000000e+00, v59  }
0x6b: {  	s22 =	sor.u32 s4, s31;
	v4 =	vmul.f32 $8.000000000e+00, v55;
	[tilespmem:v57+s14+$0x0] =	vst.idx.msk $0xffff, v5  }
0x6c: {  	s22 =	sshrl.u32 s22, $0x3;
	v5 =	vmul.f32 $8.000000000e+00, v58;
	[tilespmem:v62+s14+$0x0] =	vst.idx.msk $0xffff, v63  }
0x6d: {  	s24 =	simm.s32 $0x200;
	s22 =	sadd.s32 s5, s22;
	[tilespmem:v60+s14+$0x0] =	vst.idx.msk $0xffff, v4  }
0x6e: {  	s25 =	simm.s32 $0xE488;
	s26 =	sadd.s32 $0x0, s22;
	s23 =	simm.s32 $0xE400;
	[tilespmem:v61+s14+$0x0] =	vst.idx.msk $0xffff, v5  }
.LBB2_5:
0x6f: {  	[hbm4b:s26+s3] =	stream.linear.scatter [tilespmem:s23], [sflag:$0x3], $0x80, $0x38;
	[tilespmem:$0x12800] =	vst v63  }
0x70: {  	s26 =	smov.u32 s24;
	s23 =	smov.u32 s25;
	p1 =	sne.s32 s24, $0x7E00  }
.Ltmp1:
0x71: {  	s24 =	sadd.s32 $0x200, s24;
	(pc) =	sbr.rel @p1 .LBB2_5-.Ltmp1, $2  }
0x72: {  	_ =	sdelay $0x2  }
0x73: {  	s25 =	sadd.s32 $0x88, s25;
	s26 =	sadd.s32 s26, s22  }
0x74: {  	p1 =	sne.s32 s20, $0x63  }
.Ltmp2:
0x75: {  	_ = 	snop;
	(pc) =	sbr.rel @p1 .LBB2_8-.Ltmp2, $2  }
0x76: {  	_ =	sdelay $0x2  }
0x77: {  	[hbm4b:s26+s3] =	stream.linear.scatter [tilespmem:s23], [sflag:$0x3], $0x80, $0x38;
	[tilespmem:$0x12800] =	vst v63  }
.Ltmp3:
0x78: {  	(pc) =	sbr.rel .LBB2_9-.Ltmp3, $4  }
0x79: {  	_ = 	snop  }
0x7a: {  	_ =	swait.ge [sflag:s15], $0x4000  }
0x7b: {  	[sflag:s15] =	ssyncset.done $0x0  }
0x7c: {  	[sflag:s15] =	ssyncadd.s32 $0xFFFFC000  }
.LBB2_8:
0x7d: {  	s22 =	sshll.u32 s20, $0x8  }
0x7e: {  	s22 =	sand.u32 $0x3FFFFF00, s22  }
.Ltmp4:
0x7f: {  	s22 =	sadd.s32 $0x100, s22;
	(pc) =	sbr.rel @p0 .LBB2_10-.Ltmp4, $4  }
0x80: {  	[tilespmem:s11], [sflag:$0x1] =	stream.indirect.gather [hbm4b:s1+s8], $0x80, s22, s8, $0xb8;
	[tilespmem:$0x12800] =	vst v63  }
0x81: {  	_ =	swait.ge [sflag:s15], $0x4000  }
0x82: {  	[sflag:s15] =	ssyncset.done $0x0  }
0x83: {  	[sflag:s15] =	ssyncadd.s32 $0xFFFFC000  }
.LBB2_9:
0x84: {  	_ =	swait.ge [sflag:s16], $0x2000  }
0x85: {  	[sflag:s16] =	ssyncset.done $0x0  }
0x86: {  	[sflag:s16] =	ssyncadd.s32 $0xFFFFE000  }
.LBB2_10:
0x87: {  	s25 =	simm.s32 $0xA5B0;
	s22 =	simm.s32 $0x3  }
0x88: {  	v4 =	vmov s22;
	v5 =	vld [tilespmem:s25+$0xFFFFFFD0]  }
0x89: {  	v9 =	vand.u32 $0x7F, v4  }
0x8a: {  	s26 =	simm.s32 $0x0;
	v4 =	vadd.s32 v0, v9  }
0x8b: {  	s28 =	simm.s32 $0x1;
	s23 =	simm.s32 $0x2;
	v6 =	vmov s26;
	v7 =	vld [tilespmem:s25+$0xFFFFFE50]  }
0x8c: {  	v10 =	vld [tilespmem:s25+$0xFFFFFED0];
	v11 =	vmov s23;
	v8 =	vand.u32 $0x7C, v6;
	v6 =	vmov s28  }
0x8d: {  	v12 =	vadd.s32 v0, v8;
	v15 =	vand.u32 $0x7D, v6;
	v6 =	vld [tilespmem:s25+$0xFFFFFF50];
	v5 =	vmul.f32 $8.000000000e+00, v5  }
0x8e: {  	v17 =	vand.u32 $0x7E, v11;
	v13 =	vadd.s32 v0, v15  }
0x8f: {  	v11 =	vadd.s32 v0, v17;
	[tilespmem:v4+s17+$0x0] =	vst.idx.msk $0xffff, v5  }
0x90: {  	v4 =	vmul.f32 $8.000000000e+00, v7;
	v5 =	vld [tilespmem:s25+$0xFFFFFFE0]  }
0x91: {  	v7 =	vmul.f32 $8.000000000e+00, v10  }
0x92: {  	[tilespmem:v12+s17+$0x0] =	vst.idx.msk $0xffff, v4;
	v4 =	vmul.f32 $8.000000000e+00, v6;
	v6 =	vadd.s32 v1, v9  }
0x93: {  	[tilespmem:v13+s17+$0x0] =	vst.idx.msk $0xffff, v7;
	v10 =	vld [tilespmem:s25+$0xFFFFFE60]  }
0x94: {  	v7 =	vld [tilespmem:s25+$0xFFFFFEE0];
	[tilespmem:v11+s17+$0x0] =	vst.idx.msk $0xffff, v4  }
0x95: {  	v11 =	vld [tilespmem:s25+$0xFFFFFF60];
	v4 =	vmul.f32 $8.000000000e+00, v5  }
0x96: {  	s29 =	simm.s32 $0x4;
	s24 =	simm.s32 $0x7;
	s22 =	simm.s32 $0xA7B0;
	v12 =	vadd.s32 v1, v15  }
0x97: {  	v14 =	vld [tilespmem:s22+$0xFFFFFFD0];
	v13 =	vadd.s32 v1, v17;
	v5 =	vmov s29;
	[tilespmem:v6+s17+$0x0] =	vst.idx.msk $0xffff, v4;
	v6 =	vmov s24  }
0x98: {  	v16 =	vadd.s32 v1, v8;
	v4 =	vand.u32 $0x7C, v5;
	v5 =	vand.u32 $0x7F, v6;
	v18 =	vld [tilespmem:s25+$0xFFFFFFF0]  }
0x99: {  	s30 =	simm.s32 $0x5;
	v19 =	vld [tilespmem:s22+$0xFFFFFE50];
	v22 =	vadd.s32 v2, v9;
	v6 =	vmul.f32 $8.000000000e+00, v7;
	v20 =	vadd.s32 v0, v5  }
0x9a: {  	s31 =	simm.s32 $0x6;
	v21 =	vld [tilespmem:s22+$0xFFFFFED0];
	v10 =	vmul.f32 $8.000000000e+00, v10;
	v7 =	vmul.f32 $8.000000000e+00, v11;
	v11 =	vmov s30  }
0x9b: {  	v23 =	vadd.s32 v0, v4;
	[tilespmem:v12+s17+$0x0] =	vst.idx.msk $0xffff, v6;
	v12 =	vmov s31;
	v6 =	vand.u32 $0x7D, v11;
	v11 =	vld [tilespmem:s22+$0xFFFFFF50]  }
0x9c: {  	[tilespmem:v13+s17+$0x0] =	vst.idx.msk $0xffff, v7;
	v13 =	vadd.s32 v0, v6;
	v7 =	vand.u32 $0x7E, v12;
	v12 =	vmul.f32 $8.000000000e+00, v14;
	v14 =	vld [tilespmem:s25+$0xFFFFFEF0]  }
0x9d: {  	[tilespmem:v16+s17+$0x0] =	vst.idx.msk $0xffff, v10;
	v10 =	vadd.s32 v0, v7;
	v16 =	vld [tilespmem:s25+$0xFFFFFF70];
	v18 =	vmul.f32 $8.000000000e+00, v18  }
0x9e: {  	v19 =	vmul.f32 $8.000000000e+00, v19;
	[tilespmem:v20+s17+$0x0] =	vst.idx.msk $0xffff, v12;
	v12 =	vld [tilespmem:s25+$0xFFFFFE70];
	v20 =	vadd.s32 v2, v15  }
0x9f: {  	v25 =	vadd.s32 v2, v17;
	v21 =	vmul.f32 $8.000000000e+00, v21;
	v24 =	vld [tilespmem:s22+$0xFFFFFFE0];
	[tilespmem:v22+s17+$0x0] =	vst.idx.msk $0xffff, v18  }
0xa0: {  	[tilespmem:v23+s17+$0x0] =	vst.idx.msk $0xffff, v19;
	v19 =	vadd.s32 v2, v8;
	v11 =	vmul.f32 $8.000000000e+00, v11;
	v22 =	vld [tilespmem:s25+$0x0]  }
0xa1: {  	v23 =	vld [tilespmem:s22+$0xFFFFFE60];
	[tilespmem:v13+s17+$0x0] =	vst.idx.msk $0xffff, v21;
	v21 =	vadd.s32 v1, v5;
	v14 =	vmul.f32 $8.000000000e+00, v14  }
0xa2: {  	v27 =	vadd.s32 v3, v9;
	v26 =	vld [tilespmem:s22+$0xFFFFFEE0];
	[tilespmem:v10+s17+$0x0] =	vst.idx.msk $0xffff, v11;
	v10 =	vmul.f32 $8.000000000e+00, v16  }
0xa3: {  	v18 =	vadd.s32 v1, v4;
	v13 =	vld [tilespmem:s22+$0xFFFFFF60];
	v9 =	vmul.f32 $8.000000000e+00, v12;
	[tilespmem:v20+s17+$0x0] =	vst.idx.msk $0xffff, v14  }
0xa4: {  	s24 =	simm.s32 $0x8;
	v16 =	vadd.s32 v1, v6;
	[tilespmem:v25+s17+$0x0] =	vst.idx.msk $0xffff, v10;
	v14 =	vmul.f32 $8.000000000e+00, v24;
	v12 =	vld [tilespmem:s25+$0xFFFFFF00]  }
0xa5: {  	v20 =	vmov s24;
	v10 =	vadd.s32 v1, v7;
	v11 =	vld [tilespmem:s25+$0xFFFFFF80];
	[tilespmem:v19+s17+$0x0] =	vst.idx.msk $0xffff, v9;
	v63 =	vmul.f32 $8.000000000e+00, v22  }
0xa6: {  	s26 =	simm.s32 $0xB;
	s23 =	simm.s32 $0xA9B0;
	v15 =	vadd.s32 v3, v15;
	v9 =	vand.u32 $0x7C, v20;
	v20 =	vmul.f32 $8.000000000e+00, v23;
	[tilespmem:v21+s17+$0x0] =	vst.idx.msk $0xffff, v14;
	v14 =	vld [tilespmem:s25+$0xFFFFFE80]  }
0xa7: {  	v17 =	vadd.s32 v3, v17;
	v22 =	vmov s26;
	v19 =	vld [tilespmem:s23+$0xFFFFFFD0];
	s25 =	simm.s32 $0xC;
	v21 =	vmul.f32 $8.000000000e+00, v26;
	[tilespmem:v27+s17+$0x0] =	vst.idx.msk $0xffff, v63  }
.LBB2_11:
0xa8: {  	p0 =	slt.u32 s25, $0x7C;
	s26 =	sadd.s32 $0x1, s24;
	v22 =	vand.u32 $0x7F, v22;
	[tilespmem:v18+s17+$0x0] =	vst.idx.msk $0xffff, v20;
	v13 =	vmul.f32 $8.000000000e+00, v13;
	v18 =	vld [tilespmem:s22+$0xFFFFFFF0];
	v20 =	vadd.s32 v3, v8;
	v8 =	vmovc v4  }
0xa9: {  	v4 =	vmovc v9;
	v23 =	vld [tilespmem:s23+$0xFFFFFE50];
	v24 =	vmov s26;
	s26 =	sadd.s32 $0x2, s24;
	v25 =	vadd.s32 v0, v22;
	[tilespmem:v16+s17+$0x0] =	vst.idx.msk $0xffff, v21;
	v12 =	vmul.f32 $8.000000000e+00, v12;
	s24 =	smov.u32 s25  }
0xaa: {  	v9 =	vld [tilespmem:s23+$0xFFFFFED0];
	v16 =	vmov s26;
	[tilespmem:v10+s17+$0x0] =	vst.idx.msk $0xffff, v13;
	v10 =	vadd.s32 v2, v5;
	v11 =	vmul.f32 $8.000000000e+00, v11  }
0xab: {  	v13 =	vadd.s32 v0, v4;
	v21 =	vand.u32 $0x7D, v24;
	v24 =	vld [tilespmem:s23+$0xFFFFFF50];
	v14 =	vmul.f32 $8.000000000e+00, v14;
	[tilespmem:v15+s17+$0x0] =	vst.idx.msk $0xffff, v12  }
0xac: {  	v12 =	vadd.s32 v0, v21;
	v26 =	vand.u32 $0x7E, v16;
	v15 =	vmul.f32 $8.000000000e+00, v19;
	v16 =	vld [tilespmem:s22+$0xFFFFFEF0];
	[tilespmem:v17+s17+$0x0] =	vst.idx.msk $0xffff, v11  }
0xad: {  	v11 =	vadd.s32 v0, v26;
	v17 =	vld [tilespmem:s22+$0xFFFFFF70];
	v18 =	vmul.f32 $8.000000000e+00, v18;
	[tilespmem:v20+s17+$0x0] =	vst.idx.msk $0xffff, v14  }
0xae: {  	v19 =	vadd.s32 v2, v6;
	v14 =	vmul.f32 $8.000000000e+00, v23;
	[tilespmem:v25+s17+$0x0] =	vst.idx.msk $0xffff, v15;
	v15 =	vld [tilespmem:s22+$0xFFFFFE70]  }
0xaf: {  	v23 =	vadd.s32 v2, v7;
	v9 =	vmul.f32 $8.000000000e+00, v9;
	v20 =	vld [tilespmem:s23+$0xFFFFFFE0];
	[tilespmem:v10+s17+$0x0] =	vst.idx.msk $0xffff, v18  }
0xb0: {  	[tilespmem:v13+s17+$0x0] =	vst.idx.msk $0xffff, v14;
	v10 =	vmul.f32 $8.000000000e+00, v24;
	v14 =	vadd.s32 v2, v8;
	v24 =	vld [tilespmem:s22+$0x0]  }
0xb1: {  	v27 =	vadd.s32 v1, v22;
	v25 =	vld [tilespmem:s23+$0xFFFFFE60];
	[tilespmem:v12+s17+$0x0] =	vst.idx.msk $0xffff, v9;
	v9 =	vmul.f32 $8.000000000e+00, v16  }
0xb2: {  	v29 =	vadd.s32 v3, v5;
	v5 =	vmov v22;
	v28 =	vld [tilespmem:s23+$0xFFFFFEE0];
	[tilespmem:v11+s17+$0x0] =	vst.idx.msk $0xffff, v10;
	v10 =	vmul.f32 $8.000000000e+00, v17  }
.Ltmp5:
0xb3: {  	v18 =	vadd.s32 v1, v4;
	v13 =	vld [tilespmem:s23+$0xFFFFFF60];
	v11 =	vmul.f32 $8.000000000e+00, v15;
	[tilespmem:v19+s17+$0x0] =	vst.idx.msk $0xffff, v9;
	(pc) =	sbr.rel @p0 .LBB2_11-.Ltmp5, $4  }
0xb4: {  	v16 =	vadd.s32 v1, v21;
	v15 =	vmul.f32 $8.000000000e+00, v20;
	v12 =	vld [tilespmem:s22+$0xFFFFFF00];
	[tilespmem:v23+s17+$0x0] =	vst.idx.msk $0xffff, v10  }
0xb5: {  	v9 =	vmov s25;
	v10 =	vadd.s32 v1, v26;
	[tilespmem:v14+s17+$0x0] =	vst.idx.msk $0xffff, v11;
	v11 =	vld [tilespmem:s22+$0xFFFFFF80];
	v23 =	vmul.f32 $8.000000000e+00, v24  }
0xb6: {  	s26 =	sadd.s32 $0x3, s25;
	v9 =	vand.u32 $0x7C, v9;
	v20 =	vmul.f32 $8.000000000e+00, v25;
	[tilespmem:v27+s17+$0x0] =	vst.idx.msk $0xffff, v15;
	v14 =	vld [tilespmem:s22+$0xFFFFFE80];
	v15 =	vadd.s32 v3, v6;
	v6 =	vmovc v21;
	s22 =	smov.u32 s23;
	s23 =	sadd.s32 $0x200, s23  }
0xb7: {  	v22 =	vmov s26;
	v17 =	vadd.s32 v3, v7;
	v7 =	vmovc v26;
	s25 =	sadd.s32 $0x4, s25;
	v19 =	vld [tilespmem:s23+$0xFFFFFFD0];
	v21 =	vmul.f32 $8.000000000e+00, v28;
	[tilespmem:v29+s17+$0x0] =	vst.idx.msk $0xffff, v23  }
0xb8: {  	s25 =	sadd.s32 $0x1, s24;
	v22 =	vand.u32 $0x7F, v22;
	v28 =	vld [tilespmem:s23+$0xFFFFFE50]  }
0xb9: {  	s31 =	sadd.s32 $0x2, s24;
	v24 =	vld [tilespmem:s23+$0xFFFFFED0];
	v23 =	vmov s25;
	v25 =	vadd.s32 v0, v22  }
0xba: {  	v27 =	vld [tilespmem:s23+$0xFFFFFF50];
	v51 =	vadd.s32 v0, v9;
	v26 =	vmov s31;
	v23 =	vand.u32 $0x7D, v23  }
0xbb: {  	v26 =	vand.u32 $0x7E, v26;
	v29 =	vadd.s32 v0, v23  }
0xbc: {  	[tilespmem:v18+s17+$0x0] =	vst.idx.msk $0xffff, v20;
	v30 =	vadd.s32 v0, v26;
	v19 =	vmul.f32 $8.000000000e+00, v19  }
0xbd: {  	[tilespmem:v16+s17+$0x0] =	vst.idx.msk $0xffff, v21;
	v54 =	vmul.f32 $8.000000000e+00, v28  }
0xbe: {  	v52 =	vmul.f32 $8.000000000e+00, v24;
	[tilespmem:v25+s17+$0x0] =	vst.idx.msk $0xffff, v19  }
0xbf: {  	v53 =	vmul.f32 $8.000000000e+00, v27;
	v55 =	vld [tilespmem:s23+$0xFFFFFFE0];
	[tilespmem:v51+s17+$0x0] =	vst.idx.msk $0xffff, v54  }
0xc0: {  	v13 =	vmul.f32 $8.000000000e+00, v13;
	v8 =	vadd.s32 v3, v8;
	[tilespmem:v29+s17+$0x0] =	vst.idx.msk $0xffff, v52;
	v59 =	vld [tilespmem:s23+$0xFFFFFE60]  }
0xc1: {  	v12 =	vmul.f32 $8.000000000e+00, v12;
	v57 =	vadd.s32 v1, v22;
	[tilespmem:v30+s17+$0x0] =	vst.idx.msk $0xffff, v53;
	v56 =	vld [tilespmem:s23+$0xFFFFFEE0]  }
0xc2: {  	[tilespmem:v10+s17+$0x0] =	vst.idx.msk $0xffff, v13;
	v58 =	vmul.f32 $8.000000000e+00, v11;
	v28 =	vadd.s32 v1, v9;
	v19 =	vld [tilespmem:s23+$0xFFFFFF60]  }
0xc3: {  	v61 =	vld [tilespmem:s22+$0xFFFFFFF0];
	v60 =	vadd.s32 v1, v23;
	v14 =	vmul.f32 $8.000000000e+00, v14;
	[tilespmem:v15+s17+$0x0] =	vst.idx.msk $0xffff, v12  }
0xc4: {  	v32 =	vld [tilespmem:s22+$0xFFFFFE70];
	v62 =	vadd.s32 v1, v26;
	[tilespmem:v17+s17+$0x0] =	vst.idx.msk $0xffff, v58;
	v16 =	vmul.f32 $8.000000000e+00, v55  }
0xc5: {  	[tilespmem:v8+s17+$0x0] =	vst.idx.msk $0xffff, v14;
	v29 =	vadd.s32 v2, v5;
	v30 =	vld [tilespmem:s22+$0xFFFFFF70];
	v11 =	vmul.f32 $8.000000000e+00, v59  }
0xc6: {  	v38 =	vadd.s32 v2, v4;
	v63 =	vld [tilespmem:s22+$0xFFFFFEF0];
	v31 =	vmul.f32 $8.000000000e+00, v56;
	[tilespmem:v57+s17+$0x0] =	vst.idx.msk $0xffff, v16  }
0xc7: {  	v35 =	vadd.s32 v2, v7;
	v34 =	vmul.f32 $8.000000000e+00, v19;
	v36 =	vld [tilespmem:s23+$0xFFFFFFF0];
	[tilespmem:v28+s17+$0x0] =	vst.idx.msk $0xffff, v11  }
0xc8: {  	v33 =	vadd.s32 v2, v6;
	v37 =	vmul.f32 $8.000000000e+00, v61;
	[tilespmem:v60+s17+$0x0] =	vst.idx.msk $0xffff, v31;
	v43 =	vld [tilespmem:s23+$0xFFFFFE70]  }
0xc9: {  	v40 =	vadd.s32 v2, v22;
	v14 =	vmul.f32 $8.000000000e+00, v32;
	[tilespmem:v62+s17+$0x0] =	vst.idx.msk $0xffff, v34;
	v39 =	vld [tilespmem:s23+$0xFFFFFEF0]  }
0xca: {  	v48 =	vadd.s32 v2, v9;
	[tilespmem:v29+s17+$0x0] =	vst.idx.msk $0xffff, v37;
	v42 =	vmul.f32 $8.000000000e+00, v30;
	v41 =	vld [tilespmem:s23+$0xFFFFFF70]  }
0xcb: {  	v44 =	vadd.s32 v2, v23;
	v15 =	vmul.f32 $8.000000000e+00, v63;
	[tilespmem:v38+s17+$0x0] =	vst.idx.msk $0xffff, v14;
	v45 =	vld [tilespmem:s22+$0x0]  }
0xcc: {  	v46 =	vadd.s32 v2, v26;
	v14 =	vld [tilespmem:s22+$0xFFFFFE80];
	[tilespmem:v35+s17+$0x0] =	vst.idx.msk $0xffff, v42;
	v47 =	vmul.f32 $8.000000000e+00, v36  }
0xcd: {  	v5 =	vadd.s32 v3, v5;
	[tilespmem:v33+s17+$0x0] =	vst.idx.msk $0xffff, v15;
	v49 =	vld [tilespmem:s22+$0xFFFFFF80];
	v53 =	vmul.f32 $8.000000000e+00, v43  }
0xce: {  	v4 =	vadd.s32 v3, v4;
	v21 =	vld [tilespmem:s22+$0xFFFFFF00];
	v12 =	vmul.f32 $8.000000000e+00, v39;
	[tilespmem:v40+s17+$0x0] =	vst.idx.msk $0xffff, v47  }
0xcf: {  	v52 =	vadd.s32 v3, v7;
	v51 =	vmul.f32 $8.000000000e+00, v41;
	v10 =	vld [tilespmem:s23+$0x0];
	[tilespmem:v48+s17+$0x0] =	vst.idx.msk $0xffff, v53  }
0xd0: {  	v50 =	vadd.s32 v3, v6;
	v54 =	vmul.f32 $8.000000000e+00, v45;
	[tilespmem:v44+s17+$0x0] =	vst.idx.msk $0xffff, v12;
	v59 =	vld [tilespmem:s23+$0xFFFFFE80]  }
0xd1: {  	v57 =	vadd.s32 v3, v22;
	v14 =	vmul.f32 $8.000000000e+00, v14;
	[tilespmem:v46+s17+$0x0] =	vst.idx.msk $0xffff, v51;
	v55 =	vld [tilespmem:s23+$0xFFFFFF00]  }
0xd2: {  	v62 =	vadd.s32 v3, v9;
	[tilespmem:v5+s17+$0x0] =	vst.idx.msk $0xffff, v54;
	v5 =	vmul.f32 $8.000000000e+00, v49;
	v58 =	vld [tilespmem:s23+$0xFFFFFF80]  }
0xd3: {  	v56 =	vmul.f32 $8.000000000e+00, v21;
	v60 =	vadd.s32 v3, v23;
	[tilespmem:v4+s17+$0x0] =	vst.idx.msk $0xffff, v14  }
0xd4: {  	v61 =	vadd.s32 v3, v26;
	[tilespmem:v52+s17+$0x0] =	vst.idx.msk $0xffff, v5;
	v5 =	vmul.f32 $8.000000000e+00, v10  }
0xd5: {  	s21 =	sshll.u32 s21, $0x12;
	[tilespmem:v50+s17+$0x0] =	vst.idx.msk $0xffff, v56;
	v63 =	vmul.f32 $8.000000000e+00, v59  }
0xd6: {  	s21 =	sor.u32 s4, s21;
	v4 =	vmul.f32 $8.000000000e+00, v55;
	[tilespmem:v57+s17+$0x0] =	vst.idx.msk $0xffff, v5  }
0xd7: {  	s21 =	sshrl.u32 s21, $0x3;
	v5 =	vmul.f32 $8.000000000e+00, v58;
	[tilespmem:v62+s17+$0x0] =	vst.idx.msk $0xffff, v63  }
0xd8: {  	s24 =	simm.s32 $0x10688;
	s21 =	sadd.s32 s5, s21;
	[tilespmem:v60+s17+$0x0] =	vst.idx.msk $0xffff, v4  }
0xd9: {  	s25 =	sadd.s32 $0x0, s21;
	s22 =	simm.s32 $0x10600;
	s23 =	simm.s32 $0x200;
	[tilespmem:v61+s17+$0x0] =	vst.idx.msk $0xffff, v5  }
.LBB2_13:
0xda: {  	[hbm4b:s25+s3] =	stream.linear.scatter [tilespmem:s22], [sflag:$0x4], $0x80, $0x38;
	[tilespmem:$0x12800] =	vst v63  }
0xdb: {  	s25 =	smov.u32 s23;
	s22 =	smov.u32 s24;
	p0 =	sne.s32 s23, $0x7E00  }
.Ltmp6:
0xdc: {  	s23 =	sadd.s32 $0x200, s23;
	(pc) =	sbr.rel @p0 .LBB2_13-.Ltmp6, $2  }
0xdd: {  	_ =	sdelay $0x2  }
0xde: {  	s24 =	sadd.s32 $0x88, s24;
	s25 =	sadd.s32 s25, s21  }
0xdf: {  	s20 =	sadd.s32 $0x1, s20  }
0xe0: {  	p0 =	sne.s32 s20, $0x64  }
.Ltmp7:
0xe1: {  	_ = 	snop;
	(pc) =	sbr.rel @p0 .LBB2_2-.Ltmp7, $2  }
0xe2: {  	_ =	sdelay $0x2  }
0xe3: {  	[hbm4b:s25+s3] =	stream.linear.scatter [tilespmem:s22], [sflag:$0x4], $0x80, $0x38;
	[tilespmem:$0x12800] =	vst v63  }
0xe4: {  	s19 =	sadd.s32 $0x1, s19  }
0xe5: {  	_ =	swait.ge [sflag:s18], $0x2000;
	p0 =	sne.s32 s19, s7  }
.Ltmp8:
0xe6: {  	[sflag:s18] =	ssyncset.done $0x0;
	(pc) =	sbr.rel @p0 .LBB2_1-.Ltmp8, $4  }
0xe7: {  	[sflag:s18] =	ssyncadd.s32 $0xFFFFE000  }
0xe8: {  	_ =	swait.ge [sflag:s16], $0x2000  }
0xe9: {  	[sflag:s16] =	ssyncset.done $0x0  }
0xea: {  	[sflag:s16] =	ssyncadd.s32 $0xFFFFE000  }
0xeb: {  	_ =	sfence.sel $0x180000  }
0xec: {  	[bflag:$0x0] =	sbarrier.arrive $0xFFFF  }
0xed: {  	p0 =	sne.s32 s2, $0x0;
	_ =	strace $0x90000047  }
0xee: {  	s0 =	sadd.s32 @!p0 $0x100000, s0;
	[bflag:$0x2] =	sbarrier.arrive $0xFFFF  }
0xef: {  	[sflag:s0] =	ssyncadd.tile.s32 @!p0 $0x1;
	_ =	shalt  }
.Lfunc_end2:
_tile_overlayer_lowered:
.L_overlay_start_2:
0xf0: {  	(tag) =	ssettag $0x2  }
0xf1: {  	s0 =	rddreg [dreg:$0x0];
	s2 =	stileid.u32  }
0xf2: {  	s1 =	rddreg [dreg:$0x1];
	p0 =	sne.s32 s2, $0x0  }
0xf3: {  	s3 =	rddreg [dreg:$0x2];
	[bflag:$0x3] =	sbarrier.arrive $0xFFFF;
	s2 =	simm.s32 @!p0 $0x1C05  }
0xf4: {  	[timem:s3], [sflag:s2] =	dma.local @!p0 [hbm:s0], s1  }
0xf5: {  	s0 =	simm.s32 @!p0 $0x5  }
0xf6: {  	_ =	swait.ge @!p0 [sflag:s0], s1  }
0xf7: {  	s1 =	ssub.s32 @!p0 $0x0, s1;
	[sflag:s0] =	ssyncset.done @!p0 $0x0  }
0xf8: {  	[sflag:s0] =	ssyncadd.s32 @!p0 s1  }
0xf9: {  	[bflag:$0x3] =	sbarrier.arrive $0xFFFF  }
0xfa: {  	_ =	shalt  }

</sc_bundles>
